<compile_context>
chip_gen: v7x
topology: tpu7x:2x2x1
jax: 0.10.2.dev20260603
libtpu: 0.0.44.dev20260713+nightly
codegen_flags: <defaults>
</compile_context>

<pallas_src>
import functools

import jax
import jax.numpy as jnp
from jax import lax
from jax.experimental import pallas as pl
from jax.experimental.pallas import tpu as pltpu
from jax.experimental.pallas import tpu_sc as plsc

E = 8
D_IN = 6
H = 256
D_OUT = 4
MARGIN = 1.25
B = 2048
DP = 8
NW = 32
KSUB = 128


def _mlp_kernel(cnt_ref, elist_ref, x_ref, c_ref, w1_ref, b1_ref, w2_ref,
                b2_ref, w3_ref, b3_ref, out_ref):
    xt = x_ref[...]
    c = c_ref[...]
    d2 = jnp.zeros((xt.shape[0], E), dtype=jnp.float32)
    for j in range(3):
        diff = xt[:, j:j + 1] - c[:, j][None, :]
        d2 = d2 + diff * diff
    d = jnp.sqrt(d2)
    inv = 1.0 / (d + 1e-8)
    dmin = jnp.min(d, axis=1, keepdims=True)
    inv = jnp.where(d > MARGIN * dmin, 0.0, inv)
    w = inv / jnp.sum(inv, axis=1, keepdims=True)

    i = pl.program_id(0)
    eids = lax.broadcasted_iota(jnp.int32, (1, E), 1)

    def body(j, acc):
        e = elist_ref[i, j]
        h = jnp.dot(xt, w1_ref[e], preferred_element_type=jnp.float32)
        h = jax.nn.relu(h + b1_ref[e][None, :])
        h = jnp.dot(h, w2_ref[e], preferred_element_type=jnp.float32)
        h = jax.nn.relu(h + b2_ref[e][None, :])
        o = jnp.dot(h, w3_ref[e], preferred_element_type=jnp.float32)
        o = o + b3_ref[e][None, :]
        wcol = jnp.sum(jnp.where(eids == e, w, 0.0), axis=1, keepdims=True)
        return acc + o * wcol

    out_ref[...] = lax.fori_loop(
        0, cnt_ref[i], body, jnp.zeros((xt.shape[0], DP), jnp.float32))


def _sc_mesh():
    return plsc.VectorSubcoreMesh(core_axis_name="c", subcore_axis_name="s")


def _make_row_gather(n, dp):
    b_per_w = n // NW
    k = b_per_w // KSUB

    @functools.partial(
        pl.kernel, mesh=_sc_mesh(),
        out_type=jax.ShapeDtypeStruct((n, dp), jnp.float32),
        compiler_params=pltpu.CompilerParams(use_tc_tiling_on_sc=False),
        scratch_types=[
            pltpu.VMEM((k, KSUB), jnp.int32),
            pltpu.VMEM((b_per_w, dp), jnp.float32),
            pltpu.SemaphoreType.DMA,
        ],
    )
    def gather_k(table_hbm, idx_hbm, out_hbm, idx_v, rows_v, sem):
        wid = lax.axis_index("s") * 2 + lax.axis_index("c")
        pltpu.sync_copy(idx_hbm.at[wid], idx_v)
        cps = []
        for j in range(k):
            cps.append(pltpu.async_copy(
                table_hbm.at[idx_v.at[j]],
                rows_v.at[pl.ds(j * KSUB, KSUB)], sem))
        for cp in cps:
            cp.wait()
        pltpu.sync_copy(rows_v, out_hbm.at[pl.ds(wid * b_per_w, b_per_w)])

    return gather_k


def _make_row_scatter(n, dp):
    b_per_w = n // NW
    k = b_per_w // KSUB

    @functools.partial(
        pl.kernel, mesh=_sc_mesh(),
        out_type=jax.ShapeDtypeStruct((n, dp), jnp.float32),
        compiler_params=pltpu.CompilerParams(use_tc_tiling_on_sc=False),
        scratch_types=[
            pltpu.VMEM((k, KSUB), jnp.int32),
            pltpu.VMEM((b_per_w, dp), jnp.float32),
            pltpu.SemaphoreType.DMA,
        ],
    )
    def scatter_k(src_hbm, idx_hbm, out_hbm, idx_v, rows_v, sem):
        wid = lax.axis_index("s") * 2 + lax.axis_index("c")
        pltpu.sync_copy(idx_hbm.at[wid], idx_v)
        pltpu.sync_copy(src_hbm.at[pl.ds(wid * b_per_w, b_per_w)], rows_v)
        cps = []
        for j in range(k):
            cps.append(pltpu.async_copy(
                rows_v.at[pl.ds(j * KSUB, KSUB)],
                out_hbm.at[idx_v.at[j]], sem))
        for cp in cps:
            cp.wait()

    return scatter_k


@jax.jit
def kernel(x, centroids, W1, b1, W2, b2, W3, b3):
    n = x.shape[0]
    n_blocks = n // B

    diff = x[:, None, :3] - centroids[None, :, :]
    d = jnp.sqrt(jnp.sum(diff * diff, axis=-1))
    dmin = jnp.min(d, axis=1, keepdims=True)
    mask = d <= MARGIN * dmin
    key = jnp.sum(mask.astype(jnp.int32) * (1 << jnp.arange(E)), axis=1)
    key_s, perm = lax.sort_key_val(key, lax.iota(jnp.int32, n),
                                   is_stable=False)
    perm3 = perm.reshape(NW, (n // NW) // KSUB, KSUB)
    blk_byte = lax.reduce(key_s.reshape(n_blocks, B), jnp.int32(0),
                          lax.bitwise_or, (1,))
    ids = jnp.arange(E, dtype=jnp.int32)[None, :]
    active = (blk_byte[:, None] >> ids) & 1
    blk_cnt = jnp.sum(active, axis=1).astype(jnp.int32)
    elist = jnp.sort(jnp.where(active != 0, ids, E + ids), axis=1) % E

    xp = jnp.pad(x, ((0, 0), (0, DP - D_IN)))
    W1p = jnp.pad(W1, ((0, 0), (0, DP - D_IN), (0, 0)))
    W3p = jnp.pad(W3, ((0, 0), (0, 0), (0, DP - D_OUT)))
    b3p = jnp.pad(b3, ((0, 0), (0, DP - D_OUT)))

    x_s = _make_row_gather(n, DP)(xp, perm3)

    grid_spec = pltpu.PrefetchScalarGridSpec(
        num_scalar_prefetch=2,
        grid=(n_blocks,),
        in_specs=[
            pl.BlockSpec((B, DP), lambda i, c0, e0: (i, 0)),
            pl.BlockSpec((E, 3), lambda i, c0, e0: (0, 0)),
            pl.BlockSpec((E, DP, H), lambda i, c0, e0: (0, 0, 0)),
            pl.BlockSpec((E, H), lambda i, c0, e0: (0, 0)),
            pl.BlockSpec((E, H, H), lambda i, c0, e0: (0, 0, 0)),
            pl.BlockSpec((E, H), lambda i, c0, e0: (0, 0)),
            pl.BlockSpec((E, H, DP), lambda i, c0, e0: (0, 0, 0)),
            pl.BlockSpec((E, DP), lambda i, c0, e0: (0, 0)),
        ],
        out_specs=pl.BlockSpec((B, DP), lambda i, c0, e0: (i, 0)),
    )
    out_s = pl.pallas_call(
        _mlp_kernel,
        grid_spec=grid_spec,
        out_shape=jax.ShapeDtypeStruct((n, DP), jnp.float32),
    )(blk_cnt, elist, x_s, centroids, W1p, b1, W2, b2, W3p, b3p)

    out = _make_row_scatter(n, DP)(out_s, perm3)
    return out[:, :D_OUT]

# --- scband reference (transcript-rebuilt; emitter-appended) ---
"""Pipeline reference for scband-mega-ne-rf-5669356832921 (READ-ONLY COPY).

The authoritative reference and input builder live on the scoring server;
editing this copy changes nothing except your own understanding.
"""

import jax, jax.numpy as jnp
import numpy as np

E = 8
N = 32768
D_IN = 6
H = 256
D_OUT = 4
MARGIN = 1.25

def setup_inputs(seed: int = 0) -> dict:
    key = jax.random.key(seed)
    ks = jax.random.split(key, 6)
    x = jax.random.normal(ks[0], (N, D_IN), dtype=jnp.float32)
    centroids = jax.random.normal(ks[1], (E, 3), dtype=jnp.float32)
    W1 = jax.random.normal(ks[2], (E, D_IN, H), dtype=jnp.float32) / np.sqrt(D_IN)
    b1 = jnp.zeros((E, H), dtype=jnp.float32)
    W2 = jax.random.normal(ks[3], (E, H, H), dtype=jnp.float32) / np.sqrt(H)
    b2 = jnp.zeros((E, H), dtype=jnp.float32)
    W3 = jax.random.normal(ks[4], (E, H, D_OUT), dtype=jnp.float32) / np.sqrt(H)
    b3 = jnp.zeros((E, D_OUT), dtype=jnp.float32)
    return {"x": x, "centroids": centroids, "W1": W1, "b1": b1, "W2": W2, "b2": b2, "W3": W3, "b3": b3}

def reference(x, centroids, W1, b1, W2, b2, W3, b3):
    # boundary_margin > 1 path of MegaNeRF.forward (soft inverse-distance routing)
    diff = x[:, None, :3] - centroids[None, :, :]          # cluster_dim_start = 0 (cluster_2d=False)
    cluster_distances = jnp.sqrt(jnp.sum(diff * diff, axis=-1))   # [N, E], torch.cdist
    inverse_cluster_distances = 1.0 / (cluster_distances + 1e-08)
    min_cluster_distances = jnp.min(cluster_distances, axis=1, keepdims=True)
    inverse_cluster_distances = jnp.where(
        cluster_distances > MARGIN * min_cluster_distances, 0.0, inverse_cluster_distances)
    weights = inverse_cluster_distances / jnp.sum(inverse_cluster_distances, axis=-1, keepdims=True)  # [N, E]
    # xyz_real=False -> sub_input = x (full features). Original runs each sub-NeRF only on the
    # weight>0 subset and accumulates sub_result * weight; computing densely and multiplying by
    # the (zero outside the mask) weight is mathematically identical.
    results = jnp.zeros((x.shape[0], D_OUT), dtype=jnp.float32)
    for i in range(E):
        h = jax.nn.relu(x @ W1[i] + b1[i])
        h = jax.nn.relu(h @ W2[i] + b2[i])
        out = h @ W3[i] + b3[i]                              # [N, 4] (rgb + sigma)
        results = results + out * weights[:, i:i + 1]
    return results

if __name__ == "__main__":
    import jax
    _d = setup_inputs()
    print(jax.jit(kernel)(*tuple(_d.values())))

</pallas_src>

<mosaic_0001>
#map = affine_map<(d0, d1) -> (0, 0)>
#map1 = affine_map<(d0, d1) -> (0, 0, 0)>
module attributes {stable_mosaic.version = 14 : i64} {
  func.func @gather_k(%arg0: i32, %arg1: i32, %arg2: memref<32768x8xf32, #tpu.memory_space<hbm>>, %arg3: memref<32x8x128xi32, #tpu.memory_space<hbm>>, %arg4: memref<32768x8xf32, #tpu.memory_space<hbm>>, %arg5: memref<8x128xi32, #tpu.memory_space<vmem>>, %arg6: memref<1024x8xf32, #tpu.memory_space<vmem>>, %arg7: memref<!tpu.dma_semaphore, #tpu.memory_space<semaphore_mem>>) attributes {dimension_semantics = [#tpu.dimension_semantics<core_parallel>, #tpu.dimension_semantics<subcore_parallel>], iteration_bounds = array<i64: 2, 16>, scalar_prefetch = 0 : i64, scratch_operands = 3 : i64, tpu.core_type = #tpu.core_type<sc_vector_subcore>, window_params = [{transform_indices = #map}, {transform_indices = #map1}, {transform_indices = #map}]} {
    %mul3A = arith.constant 2 : i32
    %mul3A_0 = arith.muli %arg1, %mul3A : i32
    %add3A = arith.addi %mul3A_0, %arg0 : i32
    "tpu.region"() ({
      %run_scoped3A = tpu.sem_alloc : memref<!tpu.dma_semaphore, #tpu.memory_space<semaphore_mem>>
      %dma_start3A_161 = arith.constant 0 : i32
      %dma_start3A_162 = arith.constant 0 : i32
      %dma_start3A_163 = tpu.memref_slice %arg3[%add3A, %dma_start3A_161, %dma_start3A_162] : memref<32x8x128xi32, #tpu.memory_space<hbm>> -> memref<1x8x128xi32, #tpu.memory_space<hbm>>
      %dma_start3A_164 = tpu.memref_squeeze %dma_start3A_163 : memref<1x8x128xi32, #tpu.memory_space<hbm>> -> memref<8x128xi32, #tpu.memory_space<hbm>>
      %dma_start3A_165 = arith.constant 0 : i32
      %dma_start3A_166 = arith.constant 0 : i32
      %dma_start3A_167 = tpu.memref_slice %arg3[%add3A, %dma_start3A_165, %dma_start3A_166] : memref<32x8x128xi32, #tpu.memory_space<hbm>> -> memref<1x8x128xi32, #tpu.memory_space<hbm>>
      %dma_start3A_168 = tpu.memref_squeeze %dma_start3A_167 : memref<1x8x128xi32, #tpu.memory_space<hbm>> -> memref<8x128xi32, #tpu.memory_space<hbm>>
      tpu.enqueue_dma source(%dma_start3A_168 : memref<8x128xi32, #tpu.memory_space<hbm>>) target(%arg5 : memref<8x128xi32, #tpu.memory_space<vmem>>) target_semaphore(%run_scoped3A : memref<!tpu.dma_semaphore, #tpu.memory_space<semaphore_mem>>)
      %dma_wait3A_169 = arith.constant 0 : i32
      %dma_wait3A_170 = arith.constant 0 : i32
      %dma_wait3A_171 = tpu.memref_slice %arg3[%add3A, %dma_wait3A_169, %dma_wait3A_170] : memref<32x8x128xi32, #tpu.memory_space<hbm>> -> memref<1x8x128xi32, #tpu.memory_space<hbm>>
      %dma_wait3A_172 = tpu.memref_squeeze %dma_wait3A_171 : memref<1x8x128xi32, #tpu.memory_space<hbm>> -> memref<8x128xi32, #tpu.memory_space<hbm>>
      %dma_wait3A_173 = arith.constant 0 : i32
      %dma_wait3A_174 = arith.constant 0 : i32
      %dma_wait3A_175 = tpu.memref_slice %arg3[%add3A, %dma_wait3A_173, %dma_wait3A_174] : memref<32x8x128xi32, #tpu.memory_space<hbm>> -> memref<1x8x128xi32, #tpu.memory_space<hbm>>
      %dma_wait3A_176 = tpu.memref_squeeze %dma_wait3A_175 : memref<1x8x128xi32, #tpu.memory_space<hbm>> -> memref<8x128xi32, #tpu.memory_space<hbm>>
      tpu.wait_dma2 semaphore(%run_scoped3A : memref<!tpu.dma_semaphore, #tpu.memory_space<semaphore_mem>>) src(%dma_wait3A_176 : memref<8x128xi32, #tpu.memory_space<hbm>>) dst(%arg5 : memref<8x128xi32, #tpu.memory_space<vmem>>)
      tpu.yield
    }) : () -> ()
    %dma_start3A = arith.constant 0 : i32
    %dma_start3A_1 = arith.constant 0 : i32
    %dma_start3A_2 = arith.constant 0 : i32
    %dma_start3A_3 = tpu.memref_slice %arg6[%dma_start3A_1, %dma_start3A_2] : memref<1024x8xf32, #tpu.memory_space<vmem>> -> memref<128x8xf32, #tpu.memory_space<vmem>>
    %dma_start3A_4 = arith.constant 0 : i32
    %dma_start3A_5 = tpu.memref_slice %arg5[%dma_start3A, %dma_start3A_4] : memref<8x128xi32, #tpu.memory_space<vmem>> -> memref<1x128xi32, #tpu.memory_space<vmem>>
    %dma_start3A_6 = tpu.memref_squeeze %dma_start3A_5 : memref<1x128xi32, #tpu.memory_space<vmem>> -> memref<128xi32, #tpu.memory_space<vmem>>
    %dma_start3A_7 = arith.constant 0 : i32
    %dma_start3A_8 = arith.constant 0 : i32
    %dma_start3A_9 = tpu.memref_slice %arg2[%dma_start3A_7, %dma_start3A_8] : memref<32768x8xf32, #tpu.memory_space<hbm>> -> memref<32768x8xf32, #tpu.memory_space<hbm>>
    tpu.enqueue_indirect_dma source(%dma_start3A_9 : memref<32768x8xf32, #tpu.memory_space<hbm>>) target(%dma_start3A_3 : memref<128x8xf32, #tpu.memory_space<vmem>>) offsets(%dma_start3A_6 : memref<128xi32, #tpu.memory_space<vmem>>) semaphore(%arg7 : memref<!tpu.dma_semaphore, #tpu.memory_space<semaphore_mem>>)
    %dma_start3A_10 = arith.constant 1 : i32
    %dma_start3A_11 = arith.constant 128 : i32
    %dma_start3A_12 = arith.constant 0 : i32
    %dma_start3A_13 = tpu.memref_slice %arg6[%dma_start3A_11, %dma_start3A_12] : memref<1024x8xf32, #tpu.memory_space<vmem>> -> memref<128x8xf32, #tpu.memory_space<vmem>>
    %dma_start3A_14 = arith.constant 0 : i32
    %dma_start3A_15 = tpu.memref_slice %arg5[%dma_start3A_10, %dma_start3A_14] : memref<8x128xi32, #tpu.memory_space<vmem>> -> memref<1x128xi32, #tpu.memory_space<vmem>>
    %dma_start3A_16 = tpu.memref_squeeze %dma_start3A_15 : memref<1x128xi32, #tpu.memory_space<vmem>> -> memref<128xi32, #tpu.memory_space<vmem>>
    %dma_start3A_17 = arith.constant 0 : i32
    %dma_start3A_18 = arith.constant 0 : i32
    %dma_start3A_19 = tpu.memref_slice %arg2[%dma_start3A_17, %dma_start3A_18] : memref<32768x8xf32, #tpu.memory_space<hbm>> -> memref<32768x8xf32, #tpu.memory_space<hbm>>
    tpu.enqueue_indirect_dma source(%dma_start3A_19 : memref<32768x8xf32, #tpu.memory_space<hbm>>) target(%dma_start3A_13 : memref<128x8xf32, #tpu.memory_space<vmem>>) offsets(%dma_start3A_16 : memref<128xi32, #tpu.memory_space<vmem>>) semaphore(%arg7 : memref<!tpu.dma_semaphore, #tpu.memory_space<semaphore_mem>>)
    %dma_start3A_20 = arith.constant 2 : i32
    %dma_start3A_21 = arith.constant 256 : i32
    %dma_start3A_22 = arith.constant 0 : i32
    %dma_start3A_23 = tpu.memref_slice %arg6[%dma_start3A_21, %dma_start3A_22] : memref<1024x8xf32, #tpu.memory_space<vmem>> -> memref<128x8xf32, #tpu.memory_space<vmem>>
    %dma_start3A_24 = arith.constant 0 : i32
    %dma_start3A_25 = tpu.memref_slice %arg5[%dma_start3A_20, %dma_start3A_24] : memref<8x128xi32, #tpu.memory_space<vmem>> -> memref<1x128xi32, #tpu.memory_space<vmem>>
    %dma_start3A_26 = tpu.memref_squeeze %dma_start3A_25 : memref<1x128xi32, #tpu.memory_space<vmem>> -> memref<128xi32, #tpu.memory_space<vmem>>
    %dma_start3A_27 = arith.constant 0 : i32
    %dma_start3A_28 = arith.constant 0 : i32
    %dma_start3A_29 = tpu.memref_slice %arg2[%dma_start3A_27, %dma_start3A_28] : memref<32768x8xf32, #tpu.memory_space<hbm>> -> memref<32768x8xf32, #tpu.memory_space<hbm>>
    tpu.enqueue_indirect_dma source(%dma_start3A_29 : memref<32768x8xf32, #tpu.memory_space<hbm>>) target(%dma_start3A_23 : memref<128x8xf32, #tpu.memory_space<vmem>>) offsets(%dma_start3A_26 : memref<128xi32, #tpu.memory_space<vmem>>) semaphore(%arg7 : memref<!tpu.dma_semaphore, #tpu.memory_space<semaphore_mem>>)
    %dma_start3A_30 = arith.constant 3 : i32
    %dma_start3A_31 = arith.constant 384 : i32
    %dma_start3A_32 = arith.constant 0 : i32
    %dma_start3A_33 = tpu.memref_slice %arg6[%dma_start3A_31, %dma_start3A_32] : memref<1024x8xf32, #tpu.memory_space<vmem>> -> memref<128x8xf32, #tpu.memory_space<vmem>>
    %dma_start3A_34 = arith.constant 0 : i32
    %dma_start3A_35 = tpu.memref_slice %arg5[%dma_start3A_30, %dma_start3A_34] : memref<8x128xi32, #tpu.memory_space<vmem>> -> memref<1x128xi32, #tpu.memory_space<vmem>>
    %dma_start3A_36 = tpu.memref_squeeze %dma_start3A_35 : memref<1x128xi32, #tpu.memory_space<vmem>> -> memref<128xi32, #tpu.memory_space<vmem>>
    %dma_start3A_37 = arith.constant 0 : i32
    %dma_start3A_38 = arith.constant 0 : i32
    %dma_start3A_39 = tpu.memref_slice %arg2[%dma_start3A_37, %dma_start3A_38] : memref<32768x8xf32, #tpu.memory_space<hbm>> -> memref<32768x8xf32, #tpu.memory_space<hbm>>
    tpu.enqueue_indirect_dma source(%dma_start3A_39 : memref<32768x8xf32, #tpu.memory_space<hbm>>) target(%dma_start3A_33 : memref<128x8xf32, #tpu.memory_space<vmem>>) offsets(%dma_start3A_36 : memref<128xi32, #tpu.memory_space<vmem>>) semaphore(%arg7 : memref<!tpu.dma_semaphore, #tpu.memory_space<semaphore_mem>>)
    %dma_start3A_40 = arith.constant 4 : i32
    %dma_start3A_41 = arith.constant 512 : i32
    %dma_start3A_42 = arith.constant 0 : i32
    %dma_start3A_43 = tpu.memref_slice %arg6[%dma_start3A_41, %dma_start3A_42] : memref<1024x8xf32, #tpu.memory_space<vmem>> -> memref<128x8xf32, #tpu.memory_space<vmem>>
    %dma_start3A_44 = arith.constant 0 : i32
    %dma_start3A_45 = tpu.memref_slice %arg5[%dma_start3A_40, %dma_start3A_44] : memref<8x128xi32, #tpu.memory_space<vmem>> -> memref<1x128xi32, #tpu.memory_space<vmem>>
    %dma_start3A_46 = tpu.memref_squeeze %dma_start3A_45 : memref<1x128xi32, #tpu.memory_space<vmem>> -> memref<128xi32, #tpu.memory_space<vmem>>
    %dma_start3A_47 = arith.constant 0 : i32
    %dma_start3A_48 = arith.constant 0 : i32
    %dma_start3A_49 = tpu.memref_slice %arg2[%dma_start3A_47, %dma_start3A_48] : memref<32768x8xf32, #tpu.memory_space<hbm>> -> memref<32768x8xf32, #tpu.memory_space<hbm>>
    tpu.enqueue_indirect_dma source(%dma_start3A_49 : memref<32768x8xf32, #tpu.memory_space<hbm>>) target(%dma_start3A_43 : memref<128x8xf32, #tpu.memory_space<vmem>>) offsets(%dma_start3A_46 : memref<128xi32, #tpu.memory_space<vmem>>) semaphore(%arg7 : memref<!tpu.dma_semaphore, #tpu.memory_space<semaphore_mem>>)
    %dma_start3A_50 = arith.constant 5 : i32
    %dma_start3A_51 = arith.constant 640 : i32
    %dma_start3A_52 = arith.constant 0 : i32
    %dma_start3A_53 = tpu.memref_slice %arg6[%dma_start3A_51, %dma_start3A_52] : memref<1024x8xf32, #tpu.memory_space<vmem>> -> memref<128x8xf32, #tpu.memory_space<vmem>>
    %dma_start3A_54 = arith.constant 0 : i32
    %dma_start3A_55 = tpu.memref_slice %arg5[%dma_start3A_50, %dma_start3A_54] : memref<8x128xi32, #tpu.memory_space<vmem>> -> memref<1x128xi32, #tpu.memory_space<vmem>>
    %dma_start3A_56 = tpu.memref_squeeze %dma_start3A_55 : memref<1x128xi32, #tpu.memory_space<vmem>> -> memref<128xi32, #tpu.memory_space<vmem>>
    %dma_start3A_57 = arith.constant 0 : i32
    %dma_start3A_58 = arith.constant 0 : i32
    %dma_start3A_59 = tpu.memref_slice %arg2[%dma_start3A_57, %dma_start3A_58] : memref<32768x8xf32, #tpu.memory_space<hbm>> -> memref<32768x8xf32, #tpu.memory_space<hbm>>
    tpu.enqueue_indirect_dma source(%dma_start3A_59 : memref<32768x8xf32, #tpu.memory_space<hbm>>) target(%dma_start3A_53 : memref<128x8xf32, #tpu.memory_space<vmem>>) offsets(%dma_start3A_56 : memref<128xi32, #tpu.memory_space<vmem>>) semaphore(%arg7 : memref<!tpu.dma_semaphore, #tpu.memory_space<semaphore_mem>>)
    %dma_start3A_60 = arith.constant 6 : i32
    %dma_start3A_61 = arith.constant 768 : i32
    %dma_start3A_62 = arith.constant 0 : i32
    %dma_start3A_63 = tpu.memref_slice %arg6[%dma_start3A_61, %dma_start3A_62] : memref<1024x8xf32, #tpu.memory_space<vmem>> -> memref<128x8xf32, #tpu.memory_space<vmem>>
    %dma_start3A_64 = arith.constant 0 : i32
    %dma_start3A_65 = tpu.memref_slice %arg5[%dma_start3A_60, %dma_start3A_64] : memref<8x128xi32, #tpu.memory_space<vmem>> -> memref<1x128xi32, #tpu.memory_space<vmem>>
    %dma_start3A_66 = tpu.memref_squeeze %dma_start3A_65 : memref<1x128xi32, #tpu.memory_space<vmem>> -> memref<128xi32, #tpu.memory_space<vmem>>
    %dma_start3A_67 = arith.constant 0 : i32
    %dma_start3A_68 = arith.constant 0 : i32
    %dma_start3A_69 = tpu.memref_slice %arg2[%dma_start3A_67, %dma_start3A_68] : memref<32768x8xf32, #tpu.memory_space<hbm>> -> memref<32768x8xf32, #tpu.memory_space<hbm>>
    tpu.enqueue_indirect_dma source(%dma_start3A_69 : memref<32768x8xf32, #tpu.memory_space<hbm>>) target(%dma_start3A_63 : memref<128x8xf32, #tpu.memory_space<vmem>>) offsets(%dma_start3A_66 : memref<128xi32, #tpu.memory_space<vmem>>) semaphore(%arg7 : memref<!tpu.dma_semaphore, #tpu.memory_space<semaphore_mem>>)
    %dma_start3A_70 = arith.constant 7 : i32
    %dma_start3A_71 = arith.constant 896 : i32
    %dma_start3A_72 = arith.constant 0 : i32
    %dma_start3A_73 = tpu.memref_slice %arg6[%dma_start3A_71, %dma_start3A_72] : memref<1024x8xf32, #tpu.memory_space<vmem>> -> memref<128x8xf32, #tpu.memory_space<vmem>>
    %dma_start3A_74 = arith.constant 0 : i32
    %dma_start3A_75 = tpu.memref_slice %arg5[%dma_start3A_70, %dma_start3A_74] : memref<8x128xi32, #tpu.memory_space<vmem>> -> memref<1x128xi32, #tpu.memory_space<vmem>>
    %dma_start3A_76 = tpu.memref_squeeze %dma_start3A_75 : memref<1x128xi32, #tpu.memory_space<vmem>> -> memref<128xi32, #tpu.memory_space<vmem>>
    %dma_start3A_77 = arith.constant 0 : i32
    %dma_start3A_78 = arith.constant 0 : i32
    %dma_start3A_79 = tpu.memref_slice %arg2[%dma_start3A_77, %dma_start3A_78] : memref<32768x8xf32, #tpu.memory_space<hbm>> -> memref<32768x8xf32, #tpu.memory_space<hbm>>
    tpu.enqueue_indirect_dma source(%dma_start3A_79 : memref<32768x8xf32, #tpu.memory_space<hbm>>) target(%dma_start3A_73 : memref<128x8xf32, #tpu.memory_space<vmem>>) offsets(%dma_start3A_76 : memref<128xi32, #tpu.memory_space<vmem>>) semaphore(%arg7 : memref<!tpu.dma_semaphore, #tpu.memory_space<semaphore_mem>>)
    %dma_wait3A = arith.constant 0 : i32
    %dma_wait3A_80 = arith.constant 0 : i32
    %dma_wait3A_81 = arith.constant 0 : i32
    %dma_wait3A_82 = tpu.memref_slice %arg6[%dma_wait3A_80, %dma_wait3A_81] : memref<1024x8xf32, #tpu.memory_space<vmem>> -> memref<128x8xf32, #tpu.memory_space<vmem>>
    %dma_wait3A_83 = arith.constant 0 : i32
    %dma_wait3A_84 = tpu.memref_slice %arg5[%dma_wait3A, %dma_wait3A_83] : memref<8x128xi32, #tpu.memory_space<vmem>> -> memref<1x128xi32, #tpu.memory_space<vmem>>
    %dma_wait3A_85 = tpu.memref_squeeze %dma_wait3A_84 : memref<1x128xi32, #tpu.memory_space<vmem>> -> memref<128xi32, #tpu.memory_space<vmem>>
    %dma_wait3A_86 = arith.constant 0 : i32
    %dma_wait3A_87 = arith.constant 0 : i32
    %dma_wait3A_88 = tpu.memref_slice %arg2[%dma_wait3A_86, %dma_wait3A_87] : memref<32768x8xf32, #tpu.memory_space<hbm>> -> memref<32768x8xf32, #tpu.memory_space<hbm>>
    tpu.wait_indirect_dma semaphore(%arg7 : memref<!tpu.dma_semaphore, #tpu.memory_space<semaphore_mem>>) src(%dma_wait3A_88 : memref<32768x8xf32, #tpu.memory_space<hbm>>) dst(%dma_wait3A_82 : memref<128x8xf32, #tpu.memory_space<vmem>>)
    %dma_wait3A_89 = arith.constant 1 : i32
    %dma_wait3A_90 = arith.constant 128 : i32
    %dma_wait3A_91 = arith.constant 0 : i32
    %dma_wait3A_92 = tpu.memref_slice %arg6[%dma_wait3A_90, %dma_wait3A_91] : memref<1024x8xf32, #tpu.memory_space<vmem>> -> memref<128x8xf32, #tpu.memory_space<vmem>>
    %dma_wait3A_93 = arith.constant 0 : i32
    %dma_wait3A_94 = tpu.memref_slice %arg5[%dma_wait3A_89, %dma_wait3A_93] : memref<8x128xi32, #tpu.memory_space<vmem>> -> memref<1x128xi32, #tpu.memory_space<vmem>>
    %dma_wait3A_95 = tpu.memref_squeeze %dma_wait3A_94 : memref<1x128xi32, #tpu.memory_space<vmem>> -> memref<128xi32, #tpu.memory_space<vmem>>
    %dma_wait3A_96 = arith.constant 0 : i32
    %dma_wait3A_97 = arith.constant 0 : i32
    %dma_wait3A_98 = tpu.memref_slice %arg2[%dma_wait3A_96, %dma_wait3A_97] : memref<32768x8xf32, #tpu.memory_space<hbm>> -> memref<32768x8xf32, #tpu.memory_space<hbm>>
    tpu.wait_indirect_dma semaphore(%arg7 : memref<!tpu.dma_semaphore, #tpu.memory_space<semaphore_mem>>) src(%dma_wait3A_98 : memref<32768x8xf32, #tpu.memory_space<hbm>>) dst(%dma_wait3A_92 : memref<128x8xf32, #tpu.memory_space<vmem>>)
    %dma_wait3A_99 = arith.constant 2 : i32
    %dma_wait3A_100 = arith.constant 256 : i32
    %dma_wait3A_101 = arith.constant 0 : i32
    %dma_wait3A_102 = tpu.memref_slice %arg6[%dma_wait3A_100, %dma_wait3A_101] : memref<1024x8xf32, #tpu.memory_space<vmem>> -> memref<128x8xf32, #tpu.memory_space<vmem>>
    %dma_wait3A_103 = arith.constant 0 : i32
    %dma_wait3A_104 = tpu.memref_slice %arg5[%dma_wait3A_99, %dma_wait3A_103] : memref<8x128xi32, #tpu.memory_space<vmem>> -> memref<1x128xi32, #tpu.memory_space<vmem>>
    %dma_wait3A_105 = tpu.memref_squeeze %dma_wait3A_104 : memref<1x128xi32, #tpu.memory_space<vmem>> -> memref<128xi32, #tpu.memory_space<vmem>>
    %dma_wait3A_106 = arith.constant 0 : i32
    %dma_wait3A_107 = arith.constant 0 : i32
    %dma_wait3A_108 = tpu.memref_slice %arg2[%dma_wait3A_106, %dma_wait3A_107] : memref<32768x8xf32, #tpu.memory_space<hbm>> -> memref<32768x8xf32, #tpu.memory_space<hbm>>
    tpu.wait_indirect_dma semaphore(%arg7 : memref<!tpu.dma_semaphore, #tpu.memory_space<semaphore_mem>>) src(%dma_wait3A_108 : memref<32768x8xf32, #tpu.memory_space<hbm>>) dst(%dma_wait3A_102 : memref<128x8xf32, #tpu.memory_space<vmem>>)
    %dma_wait3A_109 = arith.constant 3 : i32
    %dma_wait3A_110 = arith.constant 384 : i32
    %dma_wait3A_111 = arith.constant 0 : i32
    %dma_wait3A_112 = tpu.memref_slice %arg6[%dma_wait3A_110, %dma_wait3A_111] : memref<1024x8xf32, #tpu.memory_space<vmem>> -> memref<128x8xf32, #tpu.memory_space<vmem>>
    %dma_wait3A_113 = arith.constant 0 : i32
    %dma_wait3A_114 = tpu.memref_slice %arg5[%dma_wait3A_109, %dma_wait3A_113] : memref<8x128xi32, #tpu.memory_space<vmem>> -> memref<1x128xi32, #tpu.memory_space<vmem>>
    %dma_wait3A_115 = tpu.memref_squeeze %dma_wait3A_114 : memref<1x128xi32, #tpu.memory_space<vmem>> -> memref<128xi32, #tpu.memory_space<vmem>>
    %dma_wait3A_116 = arith.constant 0 : i32
    %dma_wait3A_117 = arith.constant 0 : i32
    %dma_wait3A_118 = tpu.memref_slice %arg2[%dma_wait3A_116, %dma_wait3A_117] : memref<32768x8xf32, #tpu.memory_space<hbm>> -> memref<32768x8xf32, #tpu.memory_space<hbm>>
    tpu.wait_indirect_dma semaphore(%arg7 : memref<!tpu.dma_semaphore, #tpu.memory_space<semaphore_mem>>) src(%dma_wait3A_118 : memref<32768x8xf32, #tpu.memory_space<hbm>>) dst(%dma_wait3A_112 : memref<128x8xf32, #tpu.memory_space<vmem>>)
    %dma_wait3A_119 = arith.constant 4 : i32
    %dma_wait3A_120 = arith.constant 512 : i32
    %dma_wait3A_121 = arith.constant 0 : i32
    %dma_wait3A_122 = tpu.memref_slice %arg6[%dma_wait3A_120, %dma_wait3A_121] : memref<1024x8xf32, #tpu.memory_space<vmem>> -> memref<128x8xf32, #tpu.memory_space<vmem>>
    %dma_wait3A_123 = arith.constant 0 : i32
    %dma_wait3A_124 = tpu.memref_slice %arg5[%dma_wait3A_119, %dma_wait3A_123] : memref<8x128xi32, #tpu.memory_space<vmem>> -> memref<1x128xi32, #tpu.memory_space<vmem>>
    %dma_wait3A_125 = tpu.memref_squeeze %dma_wait3A_124 : memref<1x128xi32, #tpu.memory_space<vmem>> -> memref<128xi32, #tpu.memory_space<vmem>>
    %dma_wait3A_126 = arith.constant 0 : i32
    %dma_wait3A_127 = arith.constant 0 : i32
    %dma_wait3A_128 = tpu.memref_slice %arg2[%dma_wait3A_126, %dma_wait3A_127] : memref<32768x8xf32, #tpu.memory_space<hbm>> -> memref<32768x8xf32, #tpu.memory_space<hbm>>
    tpu.wait_indirect_dma semaphore(%arg7 : memref<!tpu.dma_semaphore, #tpu.memory_space<semaphore_mem>>) src(%dma_wait3A_128 : memref<32768x8xf32, #tpu.memory_space<hbm>>) dst(%dma_wait3A_122 : memref<128x8xf32, #tpu.memory_space<vmem>>)
    %dma_wait3A_129 = arith.constant 5 : i32
    %dma_wait3A_130 = arith.constant 640 : i32
    %dma_wait3A_131 = arith.constant 0 : i32
    %dma_wait3A_132 = tpu.memref_slice %arg6[%dma_wait3A_130, %dma_wait3A_131] : memref<1024x8xf32, #tpu.memory_space<vmem>> -> memref<128x8xf32, #tpu.memory_space<vmem>>
    %dma_wait3A_133 = arith.constant 0 : i32
    %dma_wait3A_134 = tpu.memref_slice %arg5[%dma_wait3A_129, %dma_wait3A_133] : memref<8x128xi32, #tpu.memory_space<vmem>> -> memref<1x128xi32, #tpu.memory_space<vmem>>
    %dma_wait3A_135 = tpu.memref_squeeze %dma_wait3A_134 : memref<1x128xi32, #tpu.memory_space<vmem>> -> memref<128xi32, #tpu.memory_space<vmem>>
    %dma_wait3A_136 = arith.constant 0 : i32
    %dma_wait3A_137 = arith.constant 0 : i32
    %dma_wait3A_138 = tpu.memref_slice %arg2[%dma_wait3A_136, %dma_wait3A_137] : memref<32768x8xf32, #tpu.memory_space<hbm>> -> memref<32768x8xf32, #tpu.memory_space<hbm>>
    tpu.wait_indirect_dma semaphore(%arg7 : memref<!tpu.dma_semaphore, #tpu.memory_space<semaphore_mem>>) src(%dma_wait3A_138 : memref<32768x8xf32, #tpu.memory_space<hbm>>) dst(%dma_wait3A_132 : memref<128x8xf32, #tpu.memory_space<vmem>>)
    %dma_wait3A_139 = arith.constant 6 : i32
    %dma_wait3A_140 = arith.constant 768 : i32
    %dma_wait3A_141 = arith.constant 0 : i32
    %dma_wait3A_142 = tpu.memref_slice %arg6[%dma_wait3A_140, %dma_wait3A_141] : memref<1024x8xf32, #tpu.memory_space<vmem>> -> memref<128x8xf32, #tpu.memory_space<vmem>>
    %dma_wait3A_143 = arith.constant 0 : i32
    %dma_wait3A_144 = tpu.memref_slice %arg5[%dma_wait3A_139, %dma_wait3A_143] : memref<8x128xi32, #tpu.memory_space<vmem>> -> memref<1x128xi32, #tpu.memory_space<vmem>>
    %dma_wait3A_145 = tpu.memref_squeeze %dma_wait3A_144 : memref<1x128xi32, #tpu.memory_space<vmem>> -> memref<128xi32, #tpu.memory_space<vmem>>
    %dma_wait3A_146 = arith.constant 0 : i32
    %dma_wait3A_147 = arith.constant 0 : i32
    %dma_wait3A_148 = tpu.memref_slice %arg2[%dma_wait3A_146, %dma_wait3A_147] : memref<32768x8xf32, #tpu.memory_space<hbm>> -> memref<32768x8xf32, #tpu.memory_space<hbm>>
    tpu.wait_indirect_dma semaphore(%arg7 : memref<!tpu.dma_semaphore, #tpu.memory_space<semaphore_mem>>) src(%dma_wait3A_148 : memref<32768x8xf32, #tpu.memory_space<hbm>>) dst(%dma_wait3A_142 : memref<128x8xf32, #tpu.memory_space<vmem>>)
    %dma_wait3A_149 = arith.constant 7 : i32
    %dma_wait3A_150 = arith.constant 896 : i32
    %dma_wait3A_151 = arith.constant 0 : i32
    %dma_wait3A_152 = tpu.memref_slice %arg6[%dma_wait3A_150, %dma_wait3A_151] : memref<1024x8xf32, #tpu.memory_space<vmem>> -> memref<128x8xf32, #tpu.memory_space<vmem>>
    %dma_wait3A_153 = arith.constant 0 : i32
    %dma_wait3A_154 = tpu.memref_slice %arg5[%dma_wait3A_149, %dma_wait3A_153] : memref<8x128xi32, #tpu.memory_space<vmem>> -> memref<1x128xi32, #tpu.memory_space<vmem>>
    %dma_wait3A_155 = tpu.memref_squeeze %dma_wait3A_154 : memref<1x128xi32, #tpu.memory_space<vmem>> -> memref<128xi32, #tpu.memory_space<vmem>>
    %dma_wait3A_156 = arith.constant 0 : i32
    %dma_wait3A_157 = arith.constant 0 : i32
    %dma_wait3A_158 = tpu.memref_slice %arg2[%dma_wait3A_156, %dma_wait3A_157] : memref<32768x8xf32, #tpu.memory_space<hbm>> -> memref<32768x8xf32, #tpu.memory_space<hbm>>
    tpu.wait_indirect_dma semaphore(%arg7 : memref<!tpu.dma_semaphore, #tpu.memory_space<semaphore_mem>>) src(%dma_wait3A_158 : memref<32768x8xf32, #tpu.memory_space<hbm>>) dst(%dma_wait3A_152 : memref<128x8xf32, #tpu.memory_space<vmem>>)
    %mul3A_159 = arith.constant 1024 : i32
    %mul3A_160 = arith.muli %add3A, %mul3A_159 : i32
    "tpu.region"() ({
      %run_scoped3A = tpu.sem_alloc : memref<!tpu.dma_semaphore, #tpu.memory_space<semaphore_mem>>
      %dma_start3A_161 = arith.constant 0 : i32
      %dma_start3A_162 = tpu.memref_slice %arg4[%mul3A_160, %dma_start3A_161] : memref<32768x8xf32, #tpu.memory_space<hbm>> -> memref<1024x8xf32, #tpu.memory_space<hbm>>
      %dma_start3A_163 = arith.constant 0 : i32
      %dma_start3A_164 = tpu.memref_slice %arg4[%mul3A_160, %dma_start3A_163] : memref<32768x8xf32, #tpu.memory_space<hbm>> -> memref<1024x8xf32, #tpu.memory_space<hbm>>
      tpu.enqueue_dma source(%arg6 : memref<1024x8xf32, #tpu.memory_space<vmem>>) target(%dma_start3A_164 : memref<1024x8xf32, #tpu.memory_space<hbm>>) target_semaphore(%run_scoped3A : memref<!tpu.dma_semaphore, #tpu.memory_space<semaphore_mem>>)
      %dma_wait3A_165 = arith.constant 0 : i32
      %dma_wait3A_166 = tpu.memref_slice %arg4[%mul3A_160, %dma_wait3A_165] : memref<32768x8xf32, #tpu.memory_space<hbm>> -> memref<1024x8xf32, #tpu.memory_space<hbm>>
      %dma_wait3A_167 = arith.constant 0 : i32
      %dma_wait3A_168 = tpu.memref_slice %arg4[%mul3A_160, %dma_wait3A_167] : memref<32768x8xf32, #tpu.memory_space<hbm>> -> memref<1024x8xf32, #tpu.memory_space<hbm>>
      tpu.wait_dma2 semaphore(%run_scoped3A : memref<!tpu.dma_semaphore, #tpu.memory_space<semaphore_mem>>) src(%arg6 : memref<1024x8xf32, #tpu.memory_space<vmem>>) dst(%dma_wait3A_168 : memref<1024x8xf32, #tpu.memory_space<hbm>>)
      tpu.yield
    }) : () -> ()
    return
  }
}

#map = affine_map<(d0, d1) -> (0, 0)>
#map1 = affine_map<(d0, d1) -> (0, 0, 0)>
module attributes {stable_mosaic.version = 14 : i64} {
  func.func @scatter_k(%arg0: i32, %arg1: i32, %arg2: memref<32768x8xf32, #tpu.memory_space<hbm>>, %arg3: memref<32x8x128xi32, #tpu.memory_space<hbm>>, %arg4: memref<32768x8xf32, #tpu.memory_space<hbm>>, %arg5: memref<8x128xi32, #tpu.memory_space<vmem>>, %arg6: memref<1024x8xf32, #tpu.memory_space<vmem>>, %arg7: memref<!tpu.dma_semaphore, #tpu.memory_space<semaphore_mem>>) attributes {dimension_semantics = [#tpu.dimension_semantics<core_parallel>, #tpu.dimension_semantics<subcore_parallel>], iteration_bounds = array<i64: 2, 16>, scalar_prefetch = 0 : i64, scratch_operands = 3 : i64, tpu.core_type = #tpu.core_type<sc_vector_subcore>, window_params = [{transform_indices = #map}, {transform_indices = #map1}, {transform_indices = #map}]} {
    %mul3A = arith.constant 2 : i32
    %mul3A_0 = arith.muli %arg1, %mul3A : i32
    %add3A = arith.addi %mul3A_0, %arg0 : i32
    "tpu.region"() ({
      %run_scoped3A = tpu.sem_alloc : memref<!tpu.dma_semaphore, #tpu.memory_space<semaphore_mem>>
      %dma_start3A_161 = arith.constant 0 : i32
      %dma_start3A_162 = arith.constant 0 : i32
      %dma_start3A_163 = tpu.memref_slice %arg3[%add3A, %dma_start3A_161, %dma_start3A_162] : memref<32x8x128xi32, #tpu.memory_space<hbm>> -> memref<1x8x128xi32, #tpu.memory_space<hbm>>
      %dma_start3A_164 = tpu.memref_squeeze %dma_start3A_163 : memref<1x8x128xi32, #tpu.memory_space<hbm>> -> memref<8x128xi32, #tpu.memory_space<hbm>>
      %dma_start3A_165 = arith.constant 0 : i32
      %dma_start3A_166 = arith.constant 0 : i32
      %dma_start3A_167 = tpu.memref_slice %arg3[%add3A, %dma_start3A_165, %dma_start3A_166] : memref<32x8x128xi32, #tpu.memory_space<hbm>> -> memref<1x8x128xi32, #tpu.memory_space<hbm>>
      %dma_start3A_168 = tpu.memref_squeeze %dma_start3A_167 : memref<1x8x128xi32, #tpu.memory_space<hbm>> -> memref<8x128xi32, #tpu.memory_space<hbm>>
      tpu.enqueue_dma source(%dma_start3A_168 : memref<8x128xi32, #tpu.memory_space<hbm>>) target(%arg5 : memref<8x128xi32, #tpu.memory_space<vmem>>) target_semaphore(%run_scoped3A : memref<!tpu.dma_semaphore, #tpu.memory_space<semaphore_mem>>)
      %dma_wait3A_169 = arith.constant 0 : i32
      %dma_wait3A_170 = arith.constant 0 : i32
      %dma_wait3A_171 = tpu.memref_slice %arg3[%add3A, %dma_wait3A_169, %dma_wait3A_170] : memref<32x8x128xi32, #tpu.memory_space<hbm>> -> memref<1x8x128xi32, #tpu.memory_space<hbm>>
      %dma_wait3A_172 = tpu.memref_squeeze %dma_wait3A_171 : memref<1x8x128xi32, #tpu.memory_space<hbm>> -> memref<8x128xi32, #tpu.memory_space<hbm>>
      %dma_wait3A_173 = arith.constant 0 : i32
      %dma_wait3A_174 = arith.constant 0 : i32
      %dma_wait3A_175 = tpu.memref_slice %arg3[%add3A, %dma_wait3A_173, %dma_wait3A_174] : memref<32x8x128xi32, #tpu.memory_space<hbm>> -> memref<1x8x128xi32, #tpu.memory_space<hbm>>
      %dma_wait3A_176 = tpu.memref_squeeze %dma_wait3A_175 : memref<1x8x128xi32, #tpu.memory_space<hbm>> -> memref<8x128xi32, #tpu.memory_space<hbm>>
      tpu.wait_dma2 semaphore(%run_scoped3A : memref<!tpu.dma_semaphore, #tpu.memory_space<semaphore_mem>>) src(%dma_wait3A_176 : memref<8x128xi32, #tpu.memory_space<hbm>>) dst(%arg5 : memref<8x128xi32, #tpu.memory_space<vmem>>)
      tpu.yield
    }) : () -> ()
    %mul3A_1 = arith.constant 1024 : i32
    %mul3A_2 = arith.muli %add3A, %mul3A_1 : i32
    "tpu.region"() ({
      %run_scoped3A = tpu.sem_alloc : memref<!tpu.dma_semaphore, #tpu.memory_space<semaphore_mem>>
      %dma_start3A_161 = arith.constant 0 : i32
      %dma_start3A_162 = tpu.memref_slice %arg2[%mul3A_2, %dma_start3A_161] : memref<32768x8xf32, #tpu.memory_space<hbm>> -> memref<1024x8xf32, #tpu.memory_space<hbm>>
      %dma_start3A_163 = arith.constant 0 : i32
      %dma_start3A_164 = tpu.memref_slice %arg2[%mul3A_2, %dma_start3A_163] : memref<32768x8xf32, #tpu.memory_space<hbm>> -> memref<1024x8xf32, #tpu.memory_space<hbm>>
      tpu.enqueue_dma source(%dma_start3A_164 : memref<1024x8xf32, #tpu.memory_space<hbm>>) target(%arg6 : memref<1024x8xf32, #tpu.memory_space<vmem>>) target_semaphore(%run_scoped3A : memref<!tpu.dma_semaphore, #tpu.memory_space<semaphore_mem>>)
      %dma_wait3A_165 = arith.constant 0 : i32
      %dma_wait3A_166 = tpu.memref_slice %arg2[%mul3A_2, %dma_wait3A_165] : memref<32768x8xf32, #tpu.memory_space<hbm>> -> memref<1024x8xf32, #tpu.memory_space<hbm>>
      %dma_wait3A_167 = arith.constant 0 : i32
      %dma_wait3A_168 = tpu.memref_slice %arg2[%mul3A_2, %dma_wait3A_167] : memref<32768x8xf32, #tpu.memory_space<hbm>> -> memref<1024x8xf32, #tpu.memory_space<hbm>>
      tpu.wait_dma2 semaphore(%run_scoped3A : memref<!tpu.dma_semaphore, #tpu.memory_space<semaphore_mem>>) src(%dma_wait3A_168 : memref<1024x8xf32, #tpu.memory_space<hbm>>) dst(%arg6 : memref<1024x8xf32, #tpu.memory_space<vmem>>)
      tpu.yield
    }) : () -> ()
    %dma_start3A = arith.constant 0 : i32
    %dma_start3A_3 = arith.constant 0 : i32
    %dma_start3A_4 = arith.constant 0 : i32
    %dma_start3A_5 = tpu.memref_slice %arg6[%dma_start3A_3, %dma_start3A_4] : memref<1024x8xf32, #tpu.memory_space<vmem>> -> memref<128x8xf32, #tpu.memory_space<vmem>>
    %dma_start3A_6 = arith.constant 0 : i32
    %dma_start3A_7 = tpu.memref_slice %arg5[%dma_start3A, %dma_start3A_6] : memref<8x128xi32, #tpu.memory_space<vmem>> -> memref<1x128xi32, #tpu.memory_space<vmem>>
    %dma_start3A_8 = tpu.memref_squeeze %dma_start3A_7 : memref<1x128xi32, #tpu.memory_space<vmem>> -> memref<128xi32, #tpu.memory_space<vmem>>
    %dma_start3A_9 = arith.constant 0 : i32
    %dma_start3A_10 = arith.constant 0 : i32
    %dma_start3A_11 = tpu.memref_slice %arg4[%dma_start3A_9, %dma_start3A_10] : memref<32768x8xf32, #tpu.memory_space<hbm>> -> memref<32768x8xf32, #tpu.memory_space<hbm>>
    tpu.enqueue_indirect_dma source(%dma_start3A_5 : memref<128x8xf32, #tpu.memory_space<vmem>>) target(%dma_start3A_11 : memref<32768x8xf32, #tpu.memory_space<hbm>>) offsets(%dma_start3A_8 : memref<128xi32, #tpu.memory_space<vmem>>) semaphore(%arg7 : memref<!tpu.dma_semaphore, #tpu.memory_space<semaphore_mem>>)
    %dma_start3A_12 = arith.constant 1 : i32
    %dma_start3A_13 = arith.constant 128 : i32
    %dma_start3A_14 = arith.constant 0 : i32
    %dma_start3A_15 = tpu.memref_slice %arg6[%dma_start3A_13, %dma_start3A_14] : memref<1024x8xf32, #tpu.memory_space<vmem>> -> memref<128x8xf32, #tpu.memory_space<vmem>>
    %dma_start3A_16 = arith.constant 0 : i32
    %dma_start3A_17 = tpu.memref_slice %arg5[%dma_start3A_12, %dma_start3A_16] : memref<8x128xi32, #tpu.memory_space<vmem>> -> memref<1x128xi32, #tpu.memory_space<vmem>>
    %dma_start3A_18 = tpu.memref_squeeze %dma_start3A_17 : memref<1x128xi32, #tpu.memory_space<vmem>> -> memref<128xi32, #tpu.memory_space<vmem>>
    %dma_start3A_19 = arith.constant 0 : i32
    %dma_start3A_20 = arith.constant 0 : i32
    %dma_start3A_21 = tpu.memref_slice %arg4[%dma_start3A_19, %dma_start3A_20] : memref<32768x8xf32, #tpu.memory_space<hbm>> -> memref<32768x8xf32, #tpu.memory_space<hbm>>
    tpu.enqueue_indirect_dma source(%dma_start3A_15 : memref<128x8xf32, #tpu.memory_space<vmem>>) target(%dma_start3A_21 : memref<32768x8xf32, #tpu.memory_space<hbm>>) offsets(%dma_start3A_18 : memref<128xi32, #tpu.memory_space<vmem>>) semaphore(%arg7 : memref<!tpu.dma_semaphore, #tpu.memory_space<semaphore_mem>>)
    %dma_start3A_22 = arith.constant 2 : i32
    %dma_start3A_23 = arith.constant 256 : i32
    %dma_start3A_24 = arith.constant 0 : i32
    %dma_start3A_25 = tpu.memref_slice %arg6[%dma_start3A_23, %dma_start3A_24] : memref<1024x8xf32, #tpu.memory_space<vmem>> -> memref<128x8xf32, #tpu.memory_space<vmem>>
    %dma_start3A_26 = arith.constant 0 : i32
    %dma_start3A_27 = tpu.memref_slice %arg5[%dma_start3A_22, %dma_start3A_26] : memref<8x128xi32, #tpu.memory_space<vmem>> -> memref<1x128xi32, #tpu.memory_space<vmem>>
    %dma_start3A_28 = tpu.memref_squeeze %dma_start3A_27 : memref<1x128xi32, #tpu.memory_space<vmem>> -> memref<128xi32, #tpu.memory_space<vmem>>
    %dma_start3A_29 = arith.constant 0 : i32
    %dma_start3A_30 = arith.constant 0 : i32
    %dma_start3A_31 = tpu.memref_slice %arg4[%dma_start3A_29, %dma_start3A_30] : memref<32768x8xf32, #tpu.memory_space<hbm>> -> memref<32768x8xf32, #tpu.memory_space<hbm>>
    tpu.enqueue_indirect_dma source(%dma_start3A_25 : memref<128x8xf32, #tpu.memory_space<vmem>>) target(%dma_start3A_31 : memref<32768x8xf32, #tpu.memory_space<hbm>>) offsets(%dma_start3A_28 : memref<128xi32, #tpu.memory_space<vmem>>) semaphore(%arg7 : memref<!tpu.dma_semaphore, #tpu.memory_space<semaphore_mem>>)
    %dma_start3A_32 = arith.constant 3 : i32
    %dma_start3A_33 = arith.constant 384 : i32
    %dma_start3A_34 = arith.constant 0 : i32
    %dma_start3A_35 = tpu.memref_slice %arg6[%dma_start3A_33, %dma_start3A_34] : memref<1024x8xf32, #tpu.memory_space<vmem>> -> memref<128x8xf32, #tpu.memory_space<vmem>>
    %dma_start3A_36 = arith.constant 0 : i32
    %dma_start3A_37 = tpu.memref_slice %arg5[%dma_start3A_32, %dma_start3A_36] : memref<8x128xi32, #tpu.memory_space<vmem>> -> memref<1x128xi32, #tpu.memory_space<vmem>>
    %dma_start3A_38 = tpu.memref_squeeze %dma_start3A_37 : memref<1x128xi32, #tpu.memory_space<vmem>> -> memref<128xi32, #tpu.memory_space<vmem>>
    %dma_start3A_39 = arith.constant 0 : i32
    %dma_start3A_40 = arith.constant 0 : i32
    %dma_start3A_41 = tpu.memref_slice %arg4[%dma_start3A_39, %dma_start3A_40] : memref<32768x8xf32, #tpu.memory_space<hbm>> -> memref<32768x8xf32, #tpu.memory_space<hbm>>
    tpu.enqueue_indirect_dma source(%dma_start3A_35 : memref<128x8xf32, #tpu.memory_space<vmem>>) target(%dma_start3A_41 : memref<32768x8xf32, #tpu.memory_space<hbm>>) offsets(%dma_start3A_38 : memref<128xi32, #tpu.memory_space<vmem>>) semaphore(%arg7 : memref<!tpu.dma_semaphore, #tpu.memory_space<semaphore_mem>>)
    %dma_start3A_42 = arith.constant 4 : i32
    %dma_start3A_43 = arith.constant 512 : i32
    %dma_start3A_44 = arith.constant 0 : i32
    %dma_start3A_45 = tpu.memref_slice %arg6[%dma_start3A_43, %dma_start3A_44] : memref<1024x8xf32, #tpu.memory_space<vmem>> -> memref<128x8xf32, #tpu.memory_space<vmem>>
    %dma_start3A_46 = arith.constant 0 : i32
    %dma_start3A_47 = tpu.memref_slice %arg5[%dma_start3A_42, %dma_start3A_46] : memref<8x128xi32, #tpu.memory_space<vmem>> -> memref<1x128xi32, #tpu.memory_space<vmem>>
    %dma_start3A_48 = tpu.memref_squeeze %dma_start3A_47 : memref<1x128xi32, #tpu.memory_space<vmem>> -> memref<128xi32, #tpu.memory_space<vmem>>
    %dma_start3A_49 = arith.constant 0 : i32
    %dma_start3A_50 = arith.constant 0 : i32
    %dma_start3A_51 = tpu.memref_slice %arg4[%dma_start3A_49, %dma_start3A_50] : memref<32768x8xf32, #tpu.memory_space<hbm>> -> memref<32768x8xf32, #tpu.memory_space<hbm>>
    tpu.enqueue_indirect_dma source(%dma_start3A_45 : memref<128x8xf32, #tpu.memory_space<vmem>>) target(%dma_start3A_51 : memref<32768x8xf32, #tpu.memory_space<hbm>>) offsets(%dma_start3A_48 : memref<128xi32, #tpu.memory_space<vmem>>) semaphore(%arg7 : memref<!tpu.dma_semaphore, #tpu.memory_space<semaphore_mem>>)
    %dma_start3A_52 = arith.constant 5 : i32
    %dma_start3A_53 = arith.constant 640 : i32
    %dma_start3A_54 = arith.constant 0 : i32
    %dma_start3A_55 = tpu.memref_slice %arg6[%dma_start3A_53, %dma_start3A_54] : memref<1024x8xf32, #tpu.memory_space<vmem>> -> memref<128x8xf32, #tpu.memory_space<vmem>>
    %dma_start3A_56 = arith.constant 0 : i32
    %dma_start3A_57 = tpu.memref_slice %arg5[%dma_start3A_52, %dma_start3A_56] : memref<8x128xi32, #tpu.memory_space<vmem>> -> memref<1x128xi32, #tpu.memory_space<vmem>>
    %dma_start3A_58 = tpu.memref_squeeze %dma_start3A_57 : memref<1x128xi32, #tpu.memory_space<vmem>> -> memref<128xi32, #tpu.memory_space<vmem>>
    %dma_start3A_59 = arith.constant 0 : i32
    %dma_start3A_60 = arith.constant 0 : i32
    %dma_start3A_61 = tpu.memref_slice %arg4[%dma_start3A_59, %dma_start3A_60] : memref<32768x8xf32, #tpu.memory_space<hbm>> -> memref<32768x8xf32, #tpu.memory_space<hbm>>
    tpu.enqueue_indirect_dma source(%dma_start3A_55 : memref<128x8xf32, #tpu.memory_space<vmem>>) target(%dma_start3A_61 : memref<32768x8xf32, #tpu.memory_space<hbm>>) offsets(%dma_start3A_58 : memref<128xi32, #tpu.memory_space<vmem>>) semaphore(%arg7 : memref<!tpu.dma_semaphore, #tpu.memory_space<semaphore_mem>>)
    %dma_start3A_62 = arith.constant 6 : i32
    %dma_start3A_63 = arith.constant 768 : i32
    %dma_start3A_64 = arith.constant 0 : i32
    %dma_start3A_65 = tpu.memref_slice %arg6[%dma_start3A_63, %dma_start3A_64] : memref<1024x8xf32, #tpu.memory_space<vmem>> -> memref<128x8xf32, #tpu.memory_space<vmem>>
    %dma_start3A_66 = arith.constant 0 : i32
    %dma_start3A_67 = tpu.memref_slice %arg5[%dma_start3A_62, %dma_start3A_66] : memref<8x128xi32, #tpu.memory_space<vmem>> -> memref<1x128xi32, #tpu.memory_space<vmem>>
    %dma_start3A_68 = tpu.memref_squeeze %dma_start3A_67 : memref<1x128xi32, #tpu.memory_space<vmem>> -> memref<128xi32, #tpu.memory_space<vmem>>
    %dma_start3A_69 = arith.constant 0 : i32
    %dma_start3A_70 = arith.constant 0 : i32
    %dma_start3A_71 = tpu.memref_slice %arg4[%dma_start3A_69, %dma_start3A_70] : memref<32768x8xf32, #tpu.memory_space<hbm>> -> memref<32768x8xf32, #tpu.memory_space<hbm>>
    tpu.enqueue_indirect_dma source(%dma_start3A_65 : memref<128x8xf32, #tpu.memory_space<vmem>>) target(%dma_start3A_71 : memref<32768x8xf32, #tpu.memory_space<hbm>>) offsets(%dma_start3A_68 : memref<128xi32, #tpu.memory_space<vmem>>) semaphore(%arg7 : memref<!tpu.dma_semaphore, #tpu.memory_space<semaphore_mem>>)
    %dma_start3A_72 = arith.constant 7 : i32
    %dma_start3A_73 = arith.constant 896 : i32
    %dma_start3A_74 = arith.constant 0 : i32
    %dma_start3A_75 = tpu.memref_slice %arg6[%dma_start3A_73, %dma_start3A_74] : memref<1024x8xf32, #tpu.memory_space<vmem>> -> memref<128x8xf32, #tpu.memory_space<vmem>>
    %dma_start3A_76 = arith.constant 0 : i32
    %dma_start3A_77 = tpu.memref_slice %arg5[%dma_start3A_72, %dma_start3A_76] : memref<8x128xi32, #tpu.memory_space<vmem>> -> memref<1x128xi32, #tpu.memory_space<vmem>>
    %dma_start3A_78 = tpu.memref_squeeze %dma_start3A_77 : memref<1x128xi32, #tpu.memory_space<vmem>> -> memref<128xi32, #tpu.memory_space<vmem>>
    %dma_start3A_79 = arith.constant 0 : i32
    %dma_start3A_80 = arith.constant 0 : i32
    %dma_start3A_81 = tpu.memref_slice %arg4[%dma_start3A_79, %dma_start3A_80] : memref<32768x8xf32, #tpu.memory_space<hbm>> -> memref<32768x8xf32, #tpu.memory_space<hbm>>
    tpu.enqueue_indirect_dma source(%dma_start3A_75 : memref<128x8xf32, #tpu.memory_space<vmem>>) target(%dma_start3A_81 : memref<32768x8xf32, #tpu.memory_space<hbm>>) offsets(%dma_start3A_78 : memref<128xi32, #tpu.memory_space<vmem>>) semaphore(%arg7 : memref<!tpu.dma_semaphore, #tpu.memory_space<semaphore_mem>>)
    %dma_wait3A = arith.constant 0 : i32
    %dma_wait3A_82 = arith.constant 0 : i32
    %dma_wait3A_83 = arith.constant 0 : i32
    %dma_wait3A_84 = tpu.memref_slice %arg6[%dma_wait3A_82, %dma_wait3A_83] : memref<1024x8xf32, #tpu.memory_space<vmem>> -> memref<128x8xf32, #tpu.memory_space<vmem>>
    %dma_wait3A_85 = arith.constant 0 : i32
    %dma_wait3A_86 = tpu.memref_slice %arg5[%dma_wait3A, %dma_wait3A_85] : memref<8x128xi32, #tpu.memory_space<vmem>> -> memref<1x128xi32, #tpu.memory_space<vmem>>
    %dma_wait3A_87 = tpu.memref_squeeze %dma_wait3A_86 : memref<1x128xi32, #tpu.memory_space<vmem>> -> memref<128xi32, #tpu.memory_space<vmem>>
    %dma_wait3A_88 = arith.constant 0 : i32
    %dma_wait3A_89 = arith.constant 0 : i32
    %dma_wait3A_90 = tpu.memref_slice %arg4[%dma_wait3A_88, %dma_wait3A_89] : memref<32768x8xf32, #tpu.memory_space<hbm>> -> memref<32768x8xf32, #tpu.memory_space<hbm>>
    tpu.wait_indirect_dma semaphore(%arg7 : memref<!tpu.dma_semaphore, #tpu.memory_space<semaphore_mem>>) src(%dma_wait3A_84 : memref<128x8xf32, #tpu.memory_space<vmem>>) dst(%dma_wait3A_90 : memref<32768x8xf32, #tpu.memory_space<hbm>>)
    %dma_wait3A_91 = arith.constant 1 : i32
    %dma_wait3A_92 = arith.constant 128 : i32
    %dma_wait3A_93 = arith.constant 0 : i32
    %dma_wait3A_94 = tpu.memref_slice %arg6[%dma_wait3A_92, %dma_wait3A_93] : memref<1024x8xf32, #tpu.memory_space<vmem>> -> memref<128x8xf32, #tpu.memory_space<vmem>>
    %dma_wait3A_95 = arith.constant 0 : i32
    %dma_wait3A_96 = tpu.memref_slice %arg5[%dma_wait3A_91, %dma_wait3A_95] : memref<8x128xi32, #tpu.memory_space<vmem>> -> memref<1x128xi32, #tpu.memory_space<vmem>>
    %dma_wait3A_97 = tpu.memref_squeeze %dma_wait3A_96 : memref<1x128xi32, #tpu.memory_space<vmem>> -> memref<128xi32, #tpu.memory_space<vmem>>
    %dma_wait3A_98 = arith.constant 0 : i32
    %dma_wait3A_99 = arith.constant 0 : i32
    %dma_wait3A_100 = tpu.memref_slice %arg4[%dma_wait3A_98, %dma_wait3A_99] : memref<32768x8xf32, #tpu.memory_space<hbm>> -> memref<32768x8xf32, #tpu.memory_space<hbm>>
    tpu.wait_indirect_dma semaphore(%arg7 : memref<!tpu.dma_semaphore, #tpu.memory_space<semaphore_mem>>) src(%dma_wait3A_94 : memref<128x8xf32, #tpu.memory_space<vmem>>) dst(%dma_wait3A_100 : memref<32768x8xf32, #tpu.memory_space<hbm>>)
    %dma_wait3A_101 = arith.constant 2 : i32
    %dma_wait3A_102 = arith.constant 256 : i32
    %dma_wait3A_103 = arith.constant 0 : i32
    %dma_wait3A_104 = tpu.memref_slice %arg6[%dma_wait3A_102, %dma_wait3A_103] : memref<1024x8xf32, #tpu.memory_space<vmem>> -> memref<128x8xf32, #tpu.memory_space<vmem>>
    %dma_wait3A_105 = arith.constant 0 : i32
    %dma_wait3A_106 = tpu.memref_slice %arg5[%dma_wait3A_101, %dma_wait3A_105] : memref<8x128xi32, #tpu.memory_space<vmem>> -> memref<1x128xi32, #tpu.memory_space<vmem>>
    %dma_wait3A_107 = tpu.memref_squeeze %dma_wait3A_106 : memref<1x128xi32, #tpu.memory_space<vmem>> -> memref<128xi32, #tpu.memory_space<vmem>>
    %dma_wait3A_108 = arith.constant 0 : i32
    %dma_wait3A_109 = arith.constant 0 : i32
    %dma_wait3A_110 = tpu.memref_slice %arg4[%dma_wait3A_108, %dma_wait3A_109] : memref<32768x8xf32, #tpu.memory_space<hbm>> -> memref<32768x8xf32, #tpu.memory_space<hbm>>
    tpu.wait_indirect_dma semaphore(%arg7 : memref<!tpu.dma_semaphore, #tpu.memory_space<semaphore_mem>>) src(%dma_wait3A_104 : memref<128x8xf32, #tpu.memory_space<vmem>>) dst(%dma_wait3A_110 : memref<32768x8xf32, #tpu.memory_space<hbm>>)
    %dma_wait3A_111 = arith.constant 3 : i32
    %dma_wait3A_112 = arith.constant 384 : i32
    %dma_wait3A_113 = arith.constant 0 : i32
    %dma_wait3A_114 = tpu.memref_slice %arg6[%dma_wait3A_112, %dma_wait3A_113] : memref<1024x8xf32, #tpu.memory_space<vmem>> -> memref<128x8xf32, #tpu.memory_space<vmem>>
    %dma_wait3A_115 = arith.constant 0 : i32
    %dma_wait3A_116 = tpu.memref_slice %arg5[%dma_wait3A_111, %dma_wait3A_115] : memref<8x128xi32, #tpu.memory_space<vmem>> -> memref<1x128xi32, #tpu.memory_space<vmem>>
    %dma_wait3A_117 = tpu.memref_squeeze %dma_wait3A_116 : memref<1x128xi32, #tpu.memory_space<vmem>> -> memref<128xi32, #tpu.memory_space<vmem>>
    %dma_wait3A_118 = arith.constant 0 : i32
    %dma_wait3A_119 = arith.constant 0 : i32
    %dma_wait3A_120 = tpu.memref_slice %arg4[%dma_wait3A_118, %dma_wait3A_119] : memref<32768x8xf32, #tpu.memory_space<hbm>> -> memref<32768x8xf32, #tpu.memory_space<hbm>>
    tpu.wait_indirect_dma semaphore(%arg7 : memref<!tpu.dma_semaphore, #tpu.memory_space<semaphore_mem>>) src(%dma_wait3A_114 : memref<128x8xf32, #tpu.memory_space<vmem>>) dst(%dma_wait3A_120 : memref<32768x8xf32, #tpu.memory_space<hbm>>)
    %dma_wait3A_121 = arith.constant 4 : i32
    %dma_wait3A_122 = arith.constant 512 : i32
    %dma_wait3A_123 = arith.constant 0 : i32
    %dma_wait3A_124 = tpu.memref_slice %arg6[%dma_wait3A_122, %dma_wait3A_123] : memref<1024x8xf32, #tpu.memory_space<vmem>> -> memref<128x8xf32, #tpu.memory_space<vmem>>
    %dma_wait3A_125 = arith.constant 0 : i32
    %dma_wait3A_126 = tpu.memref_slice %arg5[%dma_wait3A_121, %dma_wait3A_125] : memref<8x128xi32, #tpu.memory_space<vmem>> -> memref<1x128xi32, #tpu.memory_space<vmem>>
    %dma_wait3A_127 = tpu.memref_squeeze %dma_wait3A_126 : memref<1x128xi32, #tpu.memory_space<vmem>> -> memref<128xi32, #tpu.memory_space<vmem>>
    %dma_wait3A_128 = arith.constant 0 : i32
    %dma_wait3A_129 = arith.constant 0 : i32
    %dma_wait3A_130 = tpu.memref_slice %arg4[%dma_wait3A_128, %dma_wait3A_129] : memref<32768x8xf32, #tpu.memory_space<hbm>> -> memref<32768x8xf32, #tpu.memory_space<hbm>>
    tpu.wait_indirect_dma semaphore(%arg7 : memref<!tpu.dma_semaphore, #tpu.memory_space<semaphore_mem>>) src(%dma_wait3A_124 : memref<128x8xf32, #tpu.memory_space<vmem>>) dst(%dma_wait3A_130 : memref<32768x8xf32, #tpu.memory_space<hbm>>)
    %dma_wait3A_131 = arith.constant 5 : i32
    %dma_wait3A_132 = arith.constant 640 : i32
    %dma_wait3A_133 = arith.constant 0 : i32
    %dma_wait3A_134 = tpu.memref_slice %arg6[%dma_wait3A_132, %dma_wait3A_133] : memref<1024x8xf32, #tpu.memory_space<vmem>> -> memref<128x8xf32, #tpu.memory_space<vmem>>
    %dma_wait3A_135 = arith.constant 0 : i32
    %dma_wait3A_136 = tpu.memref_slice %arg5[%dma_wait3A_131, %dma_wait3A_135] : memref<8x128xi32, #tpu.memory_space<vmem>> -> memref<1x128xi32, #tpu.memory_space<vmem>>
    %dma_wait3A_137 = tpu.memref_squeeze %dma_wait3A_136 : memref<1x128xi32, #tpu.memory_space<vmem>> -> memref<128xi32, #tpu.memory_space<vmem>>
    %dma_wait3A_138 = arith.constant 0 : i32
    %dma_wait3A_139 = arith.constant 0 : i32
    %dma_wait3A_140 = tpu.memref_slice %arg4[%dma_wait3A_138, %dma_wait3A_139] : memref<32768x8xf32, #tpu.memory_space<hbm>> -> memref<32768x8xf32, #tpu.memory_space<hbm>>
    tpu.wait_indirect_dma semaphore(%arg7 : memref<!tpu.dma_semaphore, #tpu.memory_space<semaphore_mem>>) src(%dma_wait3A_134 : memref<128x8xf32, #tpu.memory_space<vmem>>) dst(%dma_wait3A_140 : memref<32768x8xf32, #tpu.memory_space<hbm>>)
    %dma_wait3A_141 = arith.constant 6 : i32
    %dma_wait3A_142 = arith.constant 768 : i32
    %dma_wait3A_143 = arith.constant 0 : i32
    %dma_wait3A_144 = tpu.memref_slice %arg6[%dma_wait3A_142, %dma_wait3A_143] : memref<1024x8xf32, #tpu.memory_space<vmem>> -> memref<128x8xf32, #tpu.memory_space<vmem>>
    %dma_wait3A_145 = arith.constant 0 : i32
    %dma_wait3A_146 = tpu.memref_slice %arg5[%dma_wait3A_141, %dma_wait3A_145] : memref<8x128xi32, #tpu.memory_space<vmem>> -> memref<1x128xi32, #tpu.memory_space<vmem>>
    %dma_wait3A_147 = tpu.memref_squeeze %dma_wait3A_146 : memref<1x128xi32, #tpu.memory_space<vmem>> -> memref<128xi32, #tpu.memory_space<vmem>>
    %dma_wait3A_148 = arith.constant 0 : i32
    %dma_wait3A_149 = arith.constant 0 : i32
    %dma_wait3A_150 = tpu.memref_slice %arg4[%dma_wait3A_148, %dma_wait3A_149] : memref<32768x8xf32, #tpu.memory_space<hbm>> -> memref<32768x8xf32, #tpu.memory_space<hbm>>
    tpu.wait_indirect_dma semaphore(%arg7 : memref<!tpu.dma_semaphore, #tpu.memory_space<semaphore_mem>>) src(%dma_wait3A_144 : memref<128x8xf32, #tpu.memory_space<vmem>>) dst(%dma_wait3A_150 : memref<32768x8xf32, #tpu.memory_space<hbm>>)
    %dma_wait3A_151 = arith.constant 7 : i32
    %dma_wait3A_152 = arith.constant 896 : i32
    %dma_wait3A_153 = arith.constant 0 : i32
    %dma_wait3A_154 = tpu.memref_slice %arg6[%dma_wait3A_152, %dma_wait3A_153] : memref<1024x8xf32, #tpu.memory_space<vmem>> -> memref<128x8xf32, #tpu.memory_space<vmem>>
    %dma_wait3A_155 = arith.constant 0 : i32
    %dma_wait3A_156 = tpu.memref_slice %arg5[%dma_wait3A_151, %dma_wait3A_155] : memref<8x128xi32, #tpu.memory_space<vmem>> -> memref<1x128xi32, #tpu.memory_space<vmem>>
    %dma_wait3A_157 = tpu.memref_squeeze %dma_wait3A_156 : memref<1x128xi32, #tpu.memory_space<vmem>> -> memref<128xi32, #tpu.memory_space<vmem>>
    %dma_wait3A_158 = arith.constant 0 : i32
    %dma_wait3A_159 = arith.constant 0 : i32
    %dma_wait3A_160 = tpu.memref_slice %arg4[%dma_wait3A_158, %dma_wait3A_159] : memref<32768x8xf32, #tpu.memory_space<hbm>> -> memref<32768x8xf32, #tpu.memory_space<hbm>>
    tpu.wait_indirect_dma semaphore(%arg7 : memref<!tpu.dma_semaphore, #tpu.memory_space<semaphore_mem>>) src(%dma_wait3A_154 : memref<128x8xf32, #tpu.memory_space<vmem>>) dst(%dma_wait3A_160 : memref<32768x8xf32, #tpu.memory_space<hbm>>)
    return
  }
}

module attributes {stable_mosaic.version = 14 : i64} {
  func.func @_mlp_kernel(%arg0: i32, %arg1: memref<16xi32, #tpu.memory_space<smem>>, %arg2: memref<16x8xi32, #tpu.memory_space<smem>>, %arg3: memref<2048x8xf32, #tpu.memory_space<vmem>>, %arg4: memref<8x3xf32, #tpu.memory_space<vmem>>, %arg5: memref<8x8x256xf32, #tpu.memory_space<vmem>>, %arg6: memref<8x256xf32, #tpu.memory_space<vmem>>, %arg7: memref<8x256x256xf32, #tpu.memory_space<vmem>>, %arg8: memref<8x256xf32, #tpu.memory_space<vmem>>, %arg9: memref<8x256x8xf32, #tpu.memory_space<vmem>>, %arg10: memref<8x8xf32, #tpu.memory_space<vmem>>, %arg11: memref<2048x8xf32, #tpu.memory_space<vmem>>) attributes {dimension_semantics = [#tpu.dimension_semantics<arbitrary>], iteration_bounds = array<i64: 16>, scalar_prefetch = 2 : i64, scratch_operands = 0 : i64, tpu.core_type = #tpu.core_type<tc>, window_params = [{transform_indices = @transform_0, window_bounds = array<i64: 2048, 8>}, {pipeline_mode = #tpu.pipeline_mode<synchronous>, transform_indices = @transform_1, window_bounds = array<i64: 8, 3>}, {pipeline_mode = #tpu.pipeline_mode<synchronous>, transform_indices = @transform_2, window_bounds = array<i64: 8, 8, 256>}, {pipeline_mode = #tpu.pipeline_mode<synchronous>, transform_indices = @transform_3, window_bounds = array<i64: 8, 256>}, {pipeline_mode = #tpu.pipeline_mode<synchronous>, transform_indices = @transform_4, window_bounds = array<i64: 8, 256, 256>}, {pipeline_mode = #tpu.pipeline_mode<synchronous>, transform_indices = @transform_5, window_bounds = array<i64: 8, 256>}, {pipeline_mode = #tpu.pipeline_mode<synchronous>, transform_indices = @transform_6, window_bounds = array<i64: 8, 256, 8>}, {pipeline_mode = #tpu.pipeline_mode<synchronous>, transform_indices = @transform_7, window_bounds = array<i64: 8, 8>}, {transform_indices = @transform_8, window_bounds = array<i64: 2048, 8>}]} {
    %get3A = arith.constant 0 : index
    %get3A_0 = arith.constant 0 : index
    %get3A_1 = vector.load %arg3[%get3A, %get3A_0] : memref<2048x8xf32, #tpu.memory_space<vmem>>, vector<2048x8xf32>
    %get3A_2 = arith.constant 0 : index
    %get3A_3 = arith.constant 0 : index
    %get3A_4 = vector.load %arg4[%get3A_2, %get3A_3] : memref<8x3xf32, #tpu.memory_space<vmem>>, vector<8x3xf32>
    %broadcast_in_dim3A = arith.constant 0.000000e+00 : f32
    %broadcast_in_dim3A_5 = vector.broadcast %broadcast_in_dim3A : f32 to vector<2048x8xf32>
    %slice3A = vector.extract_strided_slice %get3A_1 {offsets = [0, 0], sizes = [2048, 1], strides = [1, 1]} : vector<2048x8xf32> to vector<2048x1xf32>
    %slice3A_6 = vector.extract_strided_slice %get3A_4 {offsets = [0, 0], sizes = [8, 1], strides = [1, 1]} : vector<8x3xf32> to vector<8x1xf32>
    %squeeze3A = vector.shape_cast %slice3A_6 : vector<8x1xf32> to vector<8xf32>
    %broadcast_in_dim3A_7 = vector.shape_cast %squeeze3A : vector<8xf32> to vector<1x8xf32>
    %sub3A = vector.broadcast %slice3A : vector<2048x1xf32> to vector<2048x8xf32>
    %sub3A_8 = vector.broadcast %broadcast_in_dim3A_7 : vector<1x8xf32> to vector<2048x8xf32>
    %sub3A_9 = arith.subf %sub3A, %sub3A_8 : vector<2048x8xf32>
    %mul3A = arith.mulf %sub3A_9, %sub3A_9 : vector<2048x8xf32>
    %add3A = arith.addf %broadcast_in_dim3A_5, %mul3A : vector<2048x8xf32>
    %slice3A_10 = vector.extract_strided_slice %get3A_1 {offsets = [0, 1], sizes = [2048, 1], strides = [1, 1]} : vector<2048x8xf32> to vector<2048x1xf32>
    %slice3A_11 = vector.extract_strided_slice %get3A_4 {offsets = [0, 1], sizes = [8, 1], strides = [1, 1]} : vector<8x3xf32> to vector<8x1xf32>
    %squeeze3A_12 = vector.shape_cast %slice3A_11 : vector<8x1xf32> to vector<8xf32>
    %broadcast_in_dim3A_13 = vector.shape_cast %squeeze3A_12 : vector<8xf32> to vector<1x8xf32>
    %sub3A_14 = vector.broadcast %slice3A_10 : vector<2048x1xf32> to vector<2048x8xf32>
    %sub3A_15 = vector.broadcast %broadcast_in_dim3A_13 : vector<1x8xf32> to vector<2048x8xf32>
    %sub3A_16 = arith.subf %sub3A_14, %sub3A_15 : vector<2048x8xf32>
    %mul3A_17 = arith.mulf %sub3A_16, %sub3A_16 : vector<2048x8xf32>
    %add3A_18 = arith.addf %add3A, %mul3A_17 : vector<2048x8xf32>
    %slice3A_19 = vector.extract_strided_slice %get3A_1 {offsets = [0, 2], sizes = [2048, 1], strides = [1, 1]} : vector<2048x8xf32> to vector<2048x1xf32>
    %slice3A_20 = vector.extract_strided_slice %get3A_4 {offsets = [0, 2], sizes = [8, 1], strides = [1, 1]} : vector<8x3xf32> to vector<8x1xf32>
    %squeeze3A_21 = vector.shape_cast %slice3A_20 : vector<8x1xf32> to vector<8xf32>
    %broadcast_in_dim3A_22 = vector.shape_cast %squeeze3A_21 : vector<8xf32> to vector<1x8xf32>
    %sub3A_23 = vector.broadcast %slice3A_19 : vector<2048x1xf32> to vector<2048x8xf32>
    %sub3A_24 = vector.broadcast %broadcast_in_dim3A_22 : vector<1x8xf32> to vector<2048x8xf32>
    %sub3A_25 = arith.subf %sub3A_23, %sub3A_24 : vector<2048x8xf32>
    %mul3A_26 = arith.mulf %sub3A_25, %sub3A_25 : vector<2048x8xf32>
    %add3A_27 = arith.addf %add3A_18, %mul3A_26 : vector<2048x8xf32>
    %sqrt3A = math.sqrt %add3A_27 : vector<2048x8xf32>
    %add3A_28 = arith.constant 9.99999993E-9 : f32
    %add3A_29 = vector.broadcast %add3A_28 : f32 to vector<2048x8xf32>
    %add3A_30 = arith.addf %sqrt3A, %add3A_29 : vector<2048x8xf32>
    %div3A = arith.constant 1.000000e+00 : f32
    %div3A_31 = vector.broadcast %div3A : f32 to vector<2048x8xf32>
    %div3A_32 = arith.divf %div3A_31, %add3A_30 : vector<2048x8xf32>
    %reduce_min3A = arith.constant dense<0x7F800000> : vector<2048xf32>
    %reduce_min3A_33 = vector.multi_reduction <minimumf>, %sqrt3A, %reduce_min3A [1] : vector<2048x8xf32> to vector<2048xf32>
    %broadcast_in_dim3A_34 = vector.shape_cast %reduce_min3A_33 : vector<2048xf32> to vector<2048x1xf32>
    %mul3A_35 = arith.constant 1.250000e+00 : f32
    %mul3A_36 = vector.broadcast %mul3A_35 : f32 to vector<2048x1xf32>
    %mul3A_37 = arith.mulf %mul3A_36, %broadcast_in_dim3A_34 : vector<2048x1xf32>
    %gt3A = vector.broadcast %mul3A_37 : vector<2048x1xf32> to vector<2048x8xf32>
    %gt3A_38 = arith.cmpf ogt, %sqrt3A, %gt3A : vector<2048x8xf32>
    %jit3A = arith.constant 0.000000e+00 : f32
    %broadcast_in_dim3A_39 = vector.broadcast %jit3A : f32 to vector<2048x8xf32>
    %select_n3A = arith.select %gt3A_38, %broadcast_in_dim3A_39, %div3A_32 : vector<2048x8xi1>, vector<2048x8xf32>
    %reduce_sum3A = arith.constant dense<0.000000e+00> : vector<2048xf32>
    %reduce_sum3A_40 = vector.multi_reduction <add>, %select_n3A, %reduce_sum3A [1] : vector<2048x8xf32> to vector<2048xf32>
    %broadcast_in_dim3A_41 = vector.shape_cast %reduce_sum3A_40 : vector<2048xf32> to vector<2048x1xf32>
    %div3A_42 = vector.broadcast %broadcast_in_dim3A_41 : vector<2048x1xf32> to vector<2048x8xf32>
    %div3A_43 = arith.divf %select_n3A, %div3A_42 : vector<2048x8xf32>
    %iota3A = tpu.iota {dimensions = array<i32: 1>} : vector<1x8xi32>
    %get3A_44 = arith.index_cast %arg0 : i32 to index
    %get3A_45 = memref.load %arg1[%get3A_44] : memref<16xi32, #tpu.memory_space<smem>>
    %broadcast_in_dim3A_46 = arith.constant 0.000000e+00 : f32
    %broadcast_in_dim3A_47 = vector.broadcast %broadcast_in_dim3A_46 : f32 to vector<2048x8xf32>
    %while3A = arith.constant 0 : i32
    %while3A_48 = arith.subi %get3A_45, %while3A : i32
    %while3A_49 = arith.addi %while3A, %while3A_48 : i32
    %while3A_50 = arith.constant 1 : i32
    %while3A_51 = arith.divsi %while3A_48, %while3A_50 : i32
    %while3A_52 = arith.muli %while3A_51, %while3A_50 : i32
    %while3A_53 = arith.addi %while3A, %while3A_52 : i32
    %while3A_54 = arith.constant 1 : i32
    %while3A_55 = scf.for %while3A_60 = %while3A to %while3A_53 step %while3A_54 iter_args(%while3A_61 = %broadcast_in_dim3A_47) -> (vector<2048x8xf32>)  : i32 {
      %get3A_62 = arith.index_cast %arg0 : i32 to index
      %get3A_63 = arith.index_cast %while3A_60 : i32 to index
      %get3A_64 = memref.load %arg2[%get3A_62, %get3A_63] : memref<16x8xi32, #tpu.memory_space<smem>>
      %get3A_65 = arith.index_cast %get3A_64 : i32 to index
      %get3A_66 = arith.constant 0 : index
      %get3A_67 = arith.constant 0 : index
      %get3A_68 = vector.load %arg5[%get3A_65, %get3A_66, %get3A_67] : memref<8x8x256xf32, #tpu.memory_space<vmem>>, vector<1x8x256xf32>
      %get3A_69 = vector.shape_cast %get3A_68 : vector<1x8x256xf32> to vector<8x256xf32>
      %dot_general3A = arith.constant dense<0.000000e+00> : vector<2048x256xf32>
      %dot_general3A_70 = tpu.matmul %get3A_1, %get3A_69, %dot_general3A {dimension_numbers = #tpu.dot_dimension_numbers<[1], [0], [0], [1], [0, 0, 1, 1], [], []>, transpose_lhs_hint = false} : vector<2048x8xf32>, vector<8x256xf32>, vector<2048x256xf32> -> vector<2048x256xf32>
      %get3A_71 = arith.index_cast %get3A_64 : i32 to index
      %get3A_72 = arith.constant 0 : index
      %get3A_73 = vector.load %arg6[%get3A_71, %get3A_72] : memref<8x256xf32, #tpu.memory_space<vmem>>, vector<1x256xf32>
      %get3A_74 = vector.shape_cast %get3A_73 : vector<1x256xf32> to vector<256xf32>
      %broadcast_in_dim3A_75 = vector.shape_cast %get3A_74 : vector<256xf32> to vector<1x256xf32>
      %add3A_76 = vector.broadcast %broadcast_in_dim3A_75 : vector<1x256xf32> to vector<2048x256xf32>
      %add3A_77 = arith.addf %dot_general3A_70, %add3A_76 : vector<2048x256xf32>
      %max3A = arith.constant 0.000000e+00 : f32
      %max3A_78 = vector.broadcast %max3A : f32 to vector<2048x256xf32>
      %max3A_79 = arith.maximumf %add3A_77, %max3A_78 : vector<2048x256xf32>
      %get3A_80 = arith.index_cast %get3A_64 : i32 to index
      %get3A_81 = arith.constant 0 : index
      %get3A_82 = arith.constant 0 : index
      %get3A_83 = vector.load %arg7[%get3A_80, %get3A_81, %get3A_82] : memref<8x256x256xf32, #tpu.memory_space<vmem>>, vector<1x256x256xf32>
      %get3A_84 = vector.shape_cast %get3A_83 : vector<1x256x256xf32> to vector<256x256xf32>
      %dot_general3A_85 = arith.constant dense<0.000000e+00> : vector<2048x256xf32>
      %dot_general3A_86 = tpu.matmul %max3A_79, %get3A_84, %dot_general3A_85 {dimension_numbers = #tpu.dot_dimension_numbers<[1], [0], [0], [1], [0, 0, 1, 1], [], []>, transpose_lhs_hint = false} : vector<2048x256xf32>, vector<256x256xf32>, vector<2048x256xf32> -> vector<2048x256xf32>
      %get3A_87 = arith.index_cast %get3A_64 : i32 to index
      %get3A_88 = arith.constant 0 : index
      %get3A_89 = vector.load %arg8[%get3A_87, %get3A_88] : memref<8x256xf32, #tpu.memory_space<vmem>>, vector<1x256xf32>
      %get3A_90 = vector.shape_cast %get3A_89 : vector<1x256xf32> to vector<256xf32>
      %broadcast_in_dim3A_91 = vector.shape_cast %get3A_90 : vector<256xf32> to vector<1x256xf32>
      %add3A_92 = vector.broadcast %broadcast_in_dim3A_91 : vector<1x256xf32> to vector<2048x256xf32>
      %add3A_93 = arith.addf %dot_general3A_86, %add3A_92 : vector<2048x256xf32>
      %max3A_94 = arith.constant 0.000000e+00 : f32
      %max3A_95 = vector.broadcast %max3A_94 : f32 to vector<2048x256xf32>
      %max3A_96 = arith.maximumf %add3A_93, %max3A_95 : vector<2048x256xf32>
      %get3A_97 = arith.index_cast %get3A_64 : i32 to index
      %get3A_98 = arith.constant 0 : index
      %get3A_99 = arith.constant 0 : index
      %get3A_100 = vector.load %arg9[%get3A_97, %get3A_98, %get3A_99] : memref<8x256x8xf32, #tpu.memory_space<vmem>>, vector<1x256x8xf32>
      %get3A_101 = vector.shape_cast %get3A_100 : vector<1x256x8xf32> to vector<256x8xf32>
      %dot_general3A_102 = arith.constant dense<0.000000e+00> : vector<2048x8xf32>
      %dot_general3A_103 = tpu.matmul %max3A_96, %get3A_101, %dot_general3A_102 {dimension_numbers = #tpu.dot_dimension_numbers<[1], [0], [0], [1], [0, 0, 1, 1], [], []>, transpose_lhs_hint = false} : vector<2048x256xf32>, vector<256x8xf32>, vector<2048x8xf32> -> vector<2048x8xf32>
      %get3A_104 = arith.index_cast %get3A_64 : i32 to index
      %get3A_105 = arith.constant 0 : index
      %get3A_106 = vector.load %arg10[%get3A_104, %get3A_105] : memref<8x8xf32, #tpu.memory_space<vmem>>, vector<1x8xf32>
      %get3A_107 = vector.shape_cast %get3A_106 : vector<1x8xf32> to vector<8xf32>
      %broadcast_in_dim3A_108 = vector.shape_cast %get3A_107 : vector<8xf32> to vector<1x8xf32>
      %add3A_109 = vector.broadcast %broadcast_in_dim3A_108 : vector<1x8xf32> to vector<2048x8xf32>
      %add3A_110 = arith.addf %dot_general3A_103, %add3A_109 : vector<2048x8xf32>
      %eq3A = vector.broadcast %get3A_64 : i32 to vector<1x8xi32>
      %eq3A_111 = arith.cmpi eq, %iota3A, %eq3A : vector<1x8xi32>
      %jit3A_112 = arith.constant 0.000000e+00 : f32
      %broadcast_in_dim3A_113 = vector.shape_cast %eq3A_111 : vector<1x8xi1> to vector<1x8xi1>
      %broadcast_in_dim3A_114 = vector.broadcast %broadcast_in_dim3A_113 : vector<1x8xi1> to vector<2048x8xi1>
      %broadcast_in_dim3A_115 = vector.broadcast %jit3A_112 : f32 to vector<2048x8xf32>
      %select_n3A_116 = arith.select %broadcast_in_dim3A_114, %div3A_43, %broadcast_in_dim3A_115 : vector<2048x8xi1>, vector<2048x8xf32>
      %reduce_sum3A_117 = arith.constant dense<0.000000e+00> : vector<2048xf32>
      %reduce_sum3A_118 = vector.multi_reduction <add>, %select_n3A_116, %reduce_sum3A_117 [1] : vector<2048x8xf32> to vector<2048xf32>
      %broadcast_in_dim3A_119 = vector.shape_cast %reduce_sum3A_118 : vector<2048xf32> to vector<2048x1xf32>
      %mul3A_120 = vector.broadcast %broadcast_in_dim3A_119 : vector<2048x1xf32> to vector<2048x8xf32>
      %mul3A_121 = arith.mulf %add3A_110, %mul3A_120 : vector<2048x8xf32>
      %add3A_122 = arith.addf %while3A_61, %mul3A_121 : vector<2048x8xf32>
      scf.yield %add3A_122 : vector<2048x8xf32>
    }
    %while3A_56 = arith.constant 1 : i32
    %while3A_57 = scf.for %while3A_60 = %while3A_53 to %while3A_49 step %while3A_56 iter_args(%while3A_61 = %while3A_55) -> (vector<2048x8xf32>)  : i32 {
      %get3A_62 = arith.index_cast %arg0 : i32 to index
      %get3A_63 = arith.index_cast %while3A_60 : i32 to index
      %get3A_64 = memref.load %arg2[%get3A_62, %get3A_63] : memref<16x8xi32, #tpu.memory_space<smem>>
      %get3A_65 = arith.index_cast %get3A_64 : i32 to index
      %get3A_66 = arith.constant 0 : index
      %get3A_67 = arith.constant 0 : index
      %get3A_68 = vector.load %arg5[%get3A_65, %get3A_66, %get3A_67] : memref<8x8x256xf32, #tpu.memory_space<vmem>>, vector<1x8x256xf32>
      %get3A_69 = vector.shape_cast %get3A_68 : vector<1x8x256xf32> to vector<8x256xf32>
      %dot_general3A = arith.constant dense<0.000000e+00> : vector<2048x256xf32>
      %dot_general3A_70 = tpu.matmul %get3A_1, %get3A_69, %dot_general3A {dimension_numbers = #tpu.dot_dimension_numbers<[1], [0], [0], [1], [0, 0, 1, 1], [], []>, transpose_lhs_hint = false} : vector<2048x8xf32>, vector<8x256xf32>, vector<2048x256xf32> -> vector<2048x256xf32>
      %get3A_71 = arith.index_cast %get3A_64 : i32 to index
      %get3A_72 = arith.constant 0 : index
      %get3A_73 = vector.load %arg6[%get3A_71, %get3A_72] : memref<8x256xf32, #tpu.memory_space<vmem>>, vector<1x256xf32>
      %get3A_74 = vector.shape_cast %get3A_73 : vector<1x256xf32> to vector<256xf32>
      %broadcast_in_dim3A_75 = vector.shape_cast %get3A_74 : vector<256xf32> to vector<1x256xf32>
      %add3A_76 = vector.broadcast %broadcast_in_dim3A_75 : vector<1x256xf32> to vector<2048x256xf32>
      %add3A_77 = arith.addf %dot_general3A_70, %add3A_76 : vector<2048x256xf32>
      %max3A = arith.constant 0.000000e+00 : f32
      %max3A_78 = vector.broadcast %max3A : f32 to vector<2048x256xf32>
      %max3A_79 = arith.maximumf %add3A_77, %max3A_78 : vector<2048x256xf32>
      %get3A_80 = arith.index_cast %get3A_64 : i32 to index
      %get3A_81 = arith.constant 0 : index
      %get3A_82 = arith.constant 0 : index
      %get3A_83 = vector.load %arg7[%get3A_80, %get3A_81, %get3A_82] : memref<8x256x256xf32, #tpu.memory_space<vmem>>, vector<1x256x256xf32>
      %get3A_84 = vector.shape_cast %get3A_83 : vector<1x256x256xf32> to vector<256x256xf32>
      %dot_general3A_85 = arith.constant dense<0.000000e+00> : vector<2048x256xf32>
      %dot_general3A_86 = tpu.matmul %max3A_79, %get3A_84, %dot_general3A_85 {dimension_numbers = #tpu.dot_dimension_numbers<[1], [0], [0], [1], [0, 0, 1, 1], [], []>, transpose_lhs_hint = false} : vector<2048x256xf32>, vector<256x256xf32>, vector<2048x256xf32> -> vector<2048x256xf32>
      %get3A_87 = arith.index_cast %get3A_64 : i32 to index
      %get3A_88 = arith.constant 0 : index
      %get3A_89 = vector.load %arg8[%get3A_87, %get3A_88] : memref<8x256xf32, #tpu.memory_space<vmem>>, vector<1x256xf32>
      %get3A_90 = vector.shape_cast %get3A_89 : vector<1x256xf32> to vector<256xf32>
      %broadcast_in_dim3A_91 = vector.shape_cast %get3A_90 : vector<256xf32> to vector<1x256xf32>
      %add3A_92 = vector.broadcast %broadcast_in_dim3A_91 : vector<1x256xf32> to vector<2048x256xf32>
      %add3A_93 = arith.addf %dot_general3A_86, %add3A_92 : vector<2048x256xf32>
      %max3A_94 = arith.constant 0.000000e+00 : f32
      %max3A_95 = vector.broadcast %max3A_94 : f32 to vector<2048x256xf32>
      %max3A_96 = arith.maximumf %add3A_93, %max3A_95 : vector<2048x256xf32>
      %get3A_97 = arith.index_cast %get3A_64 : i32 to index
      %get3A_98 = arith.constant 0 : index
      %get3A_99 = arith.constant 0 : index
      %get3A_100 = vector.load %arg9[%get3A_97, %get3A_98, %get3A_99] : memref<8x256x8xf32, #tpu.memory_space<vmem>>, vector<1x256x8xf32>
      %get3A_101 = vector.shape_cast %get3A_100 : vector<1x256x8xf32> to vector<256x8xf32>
      %dot_general3A_102 = arith.constant dense<0.000000e+00> : vector<2048x8xf32>
      %dot_general3A_103 = tpu.matmul %max3A_96, %get3A_101, %dot_general3A_102 {dimension_numbers = #tpu.dot_dimension_numbers<[1], [0], [0], [1], [0, 0, 1, 1], [], []>, transpose_lhs_hint = false} : vector<2048x256xf32>, vector<256x8xf32>, vector<2048x8xf32> -> vector<2048x8xf32>
      %get3A_104 = arith.index_cast %get3A_64 : i32 to index
      %get3A_105 = arith.constant 0 : index
      %get3A_106 = vector.load %arg10[%get3A_104, %get3A_105] : memref<8x8xf32, #tpu.memory_space<vmem>>, vector<1x8xf32>
      %get3A_107 = vector.shape_cast %get3A_106 : vector<1x8xf32> to vector<8xf32>
      %broadcast_in_dim3A_108 = vector.shape_cast %get3A_107 : vector<8xf32> to vector<1x8xf32>
      %add3A_109 = vector.broadcast %broadcast_in_dim3A_108 : vector<1x8xf32> to vector<2048x8xf32>
      %add3A_110 = arith.addf %dot_general3A_103, %add3A_109 : vector<2048x8xf32>
      %eq3A = vector.broadcast %get3A_64 : i32 to vector<1x8xi32>
      %eq3A_111 = arith.cmpi eq, %iota3A, %eq3A : vector<1x8xi32>
      %jit3A_112 = arith.constant 0.000000e+00 : f32
      %broadcast_in_dim3A_113 = vector.shape_cast %eq3A_111 : vector<1x8xi1> to vector<1x8xi1>
      %broadcast_in_dim3A_114 = vector.broadcast %broadcast_in_dim3A_113 : vector<1x8xi1> to vector<2048x8xi1>
      %broadcast_in_dim3A_115 = vector.broadcast %jit3A_112 : f32 to vector<2048x8xf32>
      %select_n3A_116 = arith.select %broadcast_in_dim3A_114, %div3A_43, %broadcast_in_dim3A_115 : vector<2048x8xi1>, vector<2048x8xf32>
      %reduce_sum3A_117 = arith.constant dense<0.000000e+00> : vector<2048xf32>
      %reduce_sum3A_118 = vector.multi_reduction <add>, %select_n3A_116, %reduce_sum3A_117 [1] : vector<2048x8xf32> to vector<2048xf32>
      %broadcast_in_dim3A_119 = vector.shape_cast %reduce_sum3A_118 : vector<2048xf32> to vector<2048x1xf32>
      %mul3A_120 = vector.broadcast %broadcast_in_dim3A_119 : vector<2048x1xf32> to vector<2048x8xf32>
      %mul3A_121 = arith.mulf %add3A_110, %mul3A_120 : vector<2048x8xf32>
      %add3A_122 = arith.addf %while3A_61, %mul3A_121 : vector<2048x8xf32>
      scf.yield %add3A_122 : vector<2048x8xf32>
    }
    %swap3A = arith.constant 0 : index
    %swap3A_58 = arith.constant 0 : index
    %swap3A_59 = vector.load %arg11[%swap3A, %swap3A_58] : memref<2048x8xf32, #tpu.memory_space<vmem>>, vector<2048x8xf32>
    tpu.vector_store %arg11[%swap3A, %swap3A_58], %while3A_57 {strides = array<i32>} : memref<2048x8xf32, #tpu.memory_space<vmem>>, vector<2048x8xf32>,
    return
  }
  func.func @transform_0(%arg0: i32, %arg1: memref<16xi32, #tpu.memory_space<smem>>, %arg2: memref<16x8xi32, #tpu.memory_space<smem>>) -> (i32, i32) {
    %c0_i32 = arith.constant 0 : i32
    %c0_i32_0 = arith.constant 0 : i32
    return %arg0, %c0_i32 : i32, i32
  }
  func.func @transform_1(%arg0: i32, %arg1: memref<16xi32, #tpu.memory_space<smem>>, %arg2: memref<16x8xi32, #tpu.memory_space<smem>>) -> (i32, i32) {
    %c0_i32 = arith.constant 0 : i32
    %c0_i32_0 = arith.constant 0 : i32
    %c0_i32_1 = arith.constant 0 : i32
    return %c0_i32, %c0_i32_0 : i32, i32
  }
  func.func @transform_2(%arg0: i32, %arg1: memref<16xi32, #tpu.memory_space<smem>>, %arg2: memref<16x8xi32, #tpu.memory_space<smem>>) -> (i32, i32, i32) {
    %c0_i32 = arith.constant 0 : i32
    %c0_i32_0 = arith.constant 0 : i32
    %c0_i32_1 = arith.constant 0 : i32
    %c0_i32_2 = arith.constant 0 : i32
    return %c0_i32, %c0_i32_0, %c0_i32_1 : i32, i32, i32
  }
  func.func @transform_3(%arg0: i32, %arg1: memref<16xi32, #tpu.memory_space<smem>>, %arg2: memref<16x8xi32, #tpu.memory_space<smem>>) -> (i32, i32) {
    %c0_i32 = arith.constant 0 : i32
    %c0_i32_0 = arith.constant 0 : i32
    %c0_i32_1 = arith.constant 0 : i32
    return %c0_i32, %c0_i32_0 : i32, i32
  }
  func.func @transform_4(%arg0: i32, %arg1: memref<16xi32, #tpu.memory_space<smem>>, %arg2: memref<16x8xi32, #tpu.memory_space<smem>>) -> (i32, i32, i32) {
    %c0_i32 = arith.constant 0 : i32
    %c0_i32_0 = arith.constant 0 : i32
    %c0_i32_1 = arith.constant 0 : i32
    %c0_i32_2 = arith.constant 0 : i32
    return %c0_i32, %c0_i32_0, %c0_i32_1 : i32, i32, i32
  }
  func.func @transform_5(%arg0: i32, %arg1: memref<16xi32, #tpu.memory_space<smem>>, %arg2: memref<16x8xi32, #tpu.memory_space<smem>>) -> (i32, i32) {
    %c0_i32 = arith.constant 0 : i32
    %c0_i32_0 = arith.constant 0 : i32
    %c0_i32_1 = arith.constant 0 : i32
    return %c0_i32, %c0_i32_0 : i32, i32
  }
  func.func @transform_6(%arg0: i32, %arg1: memref<16xi32, #tpu.memory_space<smem>>, %arg2: memref<16x8xi32, #tpu.memory_space<smem>>) -> (i32, i32, i32) {
    %c0_i32 = arith.constant 0 : i32
    %c0_i32_0 = arith.constant 0 : i32
    %c0_i32_1 = arith.constant 0 : i32
    %c0_i32_2 = arith.constant 0 : i32
    return %c0_i32, %c0_i32_0, %c0_i32_1 : i32, i32, i32
  }
  func.func @transform_7(%arg0: i32, %arg1: memref<16xi32, #tpu.memory_space<smem>>, %arg2: memref<16x8xi32, #tpu.memory_space<smem>>) -> (i32, i32) {
    %c0_i32 = arith.constant 0 : i32
    %c0_i32_0 = arith.constant 0 : i32
    %c0_i32_1 = arith.constant 0 : i32
    return %c0_i32, %c0_i32_0 : i32, i32
  }
  func.func @transform_8(%arg0: i32, %arg1: memref<16xi32, #tpu.memory_space<smem>>, %arg2: memref<16x8xi32, #tpu.memory_space<smem>>) -> (i32, i32) {
    %c0_i32 = arith.constant 0 : i32
    %c0_i32_0 = arith.constant 0 : i32
    return %arg0, %c0_i32 : i32, i32
  }
}

</mosaic_0001>

<sc_bundles>
// kernel: kernel.5.cloned.1.call-start
scs
__scs_entry_jumppad:
0x0: {  	(pc) =	sbr.rel $0x88, $3  }
0x1: {  	(tag) =	ssettag $0x0;
	lr =	simm.s32 $0x1  }
0x2: {  	[smem:$0x3F99] =	sst lr;
	_ =	strace $0xD0000000  }
0x3: {  	_ = 	snop  }
0x4: {  	_ = 	snop  }
0x5: {  	_ = 	snop  }
0x6: {  	_ = 	snop  }
0x7: {  	_ = 	snop  }
__scs_overlays_trampoline_lowered:
0x8: {  	[smem:$0x3FA8] =	sst s0  }
0x9: {  	[smem:$0x3FA9] =	sst s1  }
0xa: {  	[smem:$0x3FAA] =	sst s2  }
0xb: {  	[smem:$0x3FAB] =	sst s3  }
0xc: {  	[smem:$0x3FAC] =	sst s4  }
0xd: {  	[smem:$0x3FAD] =	sst s5  }
0xe: {  	[smem:$0x3FAE] =	sst s6  }
0xf: {  	[smem:$0x3FAF] =	sst s7  }
0x10: {  	[smem:$0x3FB0] =	sst s8  }
0x11: {  	[smem:$0x3FB1] =	sst s9;
	s0 =	simm.s32 @!p0 $0x0  }
0x12: {  	s1 =	sld [smem:$0x3F97];
	s0 =	simm.s32 @p0 $0x1  }
0x13: {  	[smem:$0x3FB2] =	sst s0;
	s0 =	simm.s32 @!p1 $0x0  }
0x14: {  	s2 =	sld [smem:$0x3F96];
	s0 =	simm.s32 @p1 $0x1  }
0x15: {  	[smem:$0x3FB3] =	sst s0;
	s0 =	simm.s32 @!p2 $0x0  }
0x16: {  	s3 =	sld [smem:$0x3FDB];
	s0 =	simm.s32 @p2 $0x1  }
0x17: {  	s4 =	simm.s32 $0x1BF5;
	[smem:$0x3FB5] =	sst s0  }
0x18: {  	s0 =	sld [smem:$0x3F98];
	_ =	swait.ge [sflag:s4], $0x0  }
0x19: {  	s7 =	sld [smem:$0x3F99]  }
0x1a: {  	s8 =	sadd.s32 $0xFFFFE003, lr  }
0x1b: {  	s9 =	sadd.s32 $0xFFFFFEF7, lr;
	s5 =	simm.s32 $0xFFFFFFFF;
	p2 =	slt.u32 s8, $0xFFFFF086  }
0x1c: {  	p1 =	slt.u32 s9, $0xF7A;
	s5 =	simm.s32 @!p2 $0x0  }
0x1d: {  	s5 =	simm.s32 @p1 $0x1;
	p0 =	seq.s32 s7, s2  }
0x1e: {  	s7 =	smul.u32 @!p0 $0xF7A, s2;
	p2 =	seq.s32 @!p0 s5, $0x0  }
0x1f: {  	s9 =	smul.u32 $0xF7A, s1;
	s8 =	simm.s32 @!p0 $0x1BF5;
	p2 =	por !p2, p0  }
0x20: {  	[sflag:s8] =	ssyncset.s32 @!p0 $0xFFFFF086;
	s6 =	sadd.s32 @!p0 s3, s7;
	s7 =	simm.s32 @!p0 $0x108  }
0x21: {  	s3 =	sadd.s32 s3, s9;
	s6 =	sadd.s32 @!p0 $0x88, s6;
	s7 =	simm.s32 @p2 $0x1082  }
0x22: {  	[simem:s7], [sflag:s8] =	dma.local @!p0 [hbm:s6], $0xF7A  }
0x23: {  	s9 =	sor.u32 $0xD0000000, s2;
	s6 =	simm.s32 $0x108;
	_ =	swait.ge @!p0 [sflag:s8], $0x0  }
0x24: {  	s3 =	sadd.s32 $0x88, s3;
	s6 =	simm.s32 @!p1 $0x1082;
	[sflag:s4] =	ssyncset.s32 $0xFFFFF086  }
0x25: {  	[simem:s6], [sflag:s4] =	dma.local [hbm:s3], $0xF7A  }
0x26: {  	[smem:$0x3F99] =	sst s1;
	(tag) =	ssettag s2;
	_ =	strace s9  }
0x27: {  	s1 =	sld [smem:$0x3FA9]  }
0x28: {  	s2 =	sld [smem:$0x3FAA]  }
0x29: {  	s4 =	sld [smem:$0x3FAC]  }
0x2a: {  	p0 =	seq.s32 s5, $0x0;
	s5 =	sld [smem:$0x3FAD]  }
0x2b: {  	s6 =	sld [smem:$0x3FAE]  }
0x2c: {  	s7 =	sld [smem:$0x3FAF]  }
0x2d: {  	s3 =	simm.s32 $0x108;
	s8 =	sld [smem:$0x3FB0]  }
0x2e: {  	s3 =	simm.s32 @!p0 $0x1082;
	s9 =	sld [smem:$0x3FB1]  }
0x2f: {  	lr =	sadd.s32 s0, s3;
	s0 =	sld [smem:$0x3FA8]  }
0x30: {  	s3 =	sld [smem:$0x3FAB]  }
0x31: {  	[smem:$0x3FB4] =	sst s10  }
0x32: {  	s10 =	sld [smem:$0x3FB2];
	_ =	sdelay $0x3  }
0x33: {  	p0 =	seq.s32 s10, $0x1;
	s10 =	sld [smem:$0x3FB4];
	_ =	sdelay $0x3  }
0x34: {  	[smem:$0x3FB4] =	sst s10  }
0x35: {  	s10 =	sld [smem:$0x3FB3];
	_ =	sdelay $0x3  }
0x36: {  	p1 =	seq.s32 s10, $0x1;
	s10 =	sld [smem:$0x3FB4];
	_ =	sdelay $0x3  }
0x37: {  	[smem:$0x3FB4] =	sst s10  }
0x38: {  	s10 =	sld [smem:$0x3FB5]  }
0x39: {  	_ = 	snop;
	(pc) =	sbr.ind lr, $3  }
0x3a: {  	_ = 	snop  }
0x3b: {  	_ = 	snop  }
0x3c: {  	p2 =	seq.s32 s10, $0x1;
	s10 =	sld [smem:$0x3FB4]  }
0x3d: {  	_ =	shalt  }
0x3e: {  	_ =	shalt  }
0x3f: {  	_ =	shalt  }
0x40: {  	_ =	shalt  }
0x41: {  	_ =	shalt  }
0x42: {  	_ =	shalt  }
0x43: {  	_ =	shalt  }
0x44: {  	_ =	shalt  }
0x45: {  	_ =	shalt  }
0x46: {  	_ =	shalt  }
0x47: {  	_ =	shalt  }
0x48: {  	_ =	shalt  }
0x49: {  	_ =	shalt  }
0x4a: {  	_ =	shalt  }
0x4b: {  	_ =	shalt  }
0x4c: {  	_ =	shalt  }
0x4d: {  	_ =	shalt  }
0x4e: {  	_ =	shalt  }
0x4f: {  	_ =	shalt  }
0x50: {  	_ =	shalt  }
0x51: {  	_ =	shalt  }
0x52: {  	_ =	shalt  }
0x53: {  	_ =	shalt  }
0x54: {  	_ =	shalt  }
0x55: {  	_ =	shalt  }
0x56: {  	_ =	shalt  }
0x57: {  	_ =	shalt  }
0x58: {  	_ =	shalt  }
0x59: {  	_ =	shalt  }
0x5a: {  	_ =	shalt  }
0x5b: {  	_ =	shalt  }
0x5c: {  	_ =	shalt  }
0x5d: {  	_ =	shalt  }
0x5e: {  	_ =	shalt  }
0x5f: {  	_ =	shalt  }
0x60: {  	_ =	shalt  }
0x61: {  	_ =	shalt  }
0x62: {  	_ =	shalt  }
0x63: {  	_ =	shalt  }
0x64: {  	_ =	shalt  }
0x65: {  	_ =	shalt  }
0x66: {  	_ =	shalt  }
0x67: {  	_ =	shalt  }
0x68: {  	_ =	shalt  }
0x69: {  	_ =	shalt  }
0x6a: {  	_ =	shalt  }
0x6b: {  	_ =	shalt  }
0x6c: {  	_ =	shalt  }
0x6d: {  	_ =	shalt  }
0x6e: {  	_ =	shalt  }
0x6f: {  	_ =	shalt  }
0x70: {  	_ =	shalt  }
0x71: {  	_ =	shalt  }
0x72: {  	_ =	shalt  }
0x73: {  	_ =	shalt  }
0x74: {  	_ =	shalt  }
0x75: {  	_ =	shalt  }
0x76: {  	_ =	shalt  }
0x77: {  	_ =	shalt  }
0x78: {  	_ =	shalt  }
0x79: {  	_ =	shalt  }
0x7a: {  	_ =	shalt  }
0x7b: {  	_ =	shalt  }
0x7c: {  	_ =	shalt  }
0x7d: {  	_ =	shalt  }
0x7e: {  	_ =	shalt  }
0x7f: {  	_ =	shalt  }
0x80: {  	_ =	shalt  }
0x81: {  	_ =	shalt  }
0x82: {  	_ =	shalt  }
0x83: {  	_ =	shalt  }
0x84: {  	_ =	shalt  }
0x85: {  	_ =	shalt  }
0x86: {  	_ =	shalt  }
0x87: {  	_ =	shalt  }
.Lfunc_end0:
.L_simem_size_0:
called_computation_lowered:
.L_overlay_start_0:
0x88: {  	s2 =	sld [smem:$0x3FD9]  }
0x89: {  	s3 =	sld [smem:$0x3FFE];
	_ =	sdelay $0x1  }
0x8a: {  	s1 =	srdreg.scid  }
0x8b: {  	s0 =	sand.u32 $0x1, s1  }
0x8c: {  	s17 =	sshll.u32 s0, $0xA;
	s2 =	sadd.s32 s3, s2  }
0x8d: {  	s2 =	sadd.s32 s2, s17  }
0x8e: {  	[smem:$0x3FC0] =	sst s2  }
0x8f: {  	_ = 	snop  }
0x90: {  	s2 =	sld [smem:$0x3FD0];
	(tm) =	ssettm $0x1  }
0x91: {  	s18 =	sld [smem:$0x3FFB];
	_ =	sdelay $0x3  }
0x92: {  	_ =	strace s18  }
0x93: {  	s3 =	sld [smem:$0x3FFC];
	_ =	sdelay $0x3  }
0x94: {  	_ =	strace s3  }
0x95: {  	s3 =	sld [smem:$0x3FFD];
	_ =	sdelay $0x3  }
0x96: {  	_ =	strace s3  }
0x97: {  	_ =	strace $0x8FFFFFFF  }
0x98: {  	s19 =	sld [smem:$0x3FDB];
	_ =	sdelay $0x1  }
0x99: {  	s4 =	simm.s32 $_scs_section_size  }
0x9a: {  	s5 =	simm.s32 $_size__tile_overlayer_lowered;
	s6 =	simm.s32 $_tile_overlayer_lowered  }
0x9b: {  	s22 =	simm.s32 $0x1BFF;
	s21 =	sshll.u32 s6, $0x1;
	s3 =	sadd.s32 s4, s19  }
0x9c: {  	s7 =	simm.s32 $0x0;
	s20 =	sshll.u32 s5, $0x1;
	s5 =	sadd.s32 s21, s3  }
0x9d: {  	[timem:s7], [sflag:s22] =	dma.local [hbm:s5], s20  }
0x9e: {  	_ =	swait.ge [sflag:s22], s20  }
0x9f: {  	s4 =	ssub.s32 $0x0, s20;
	[sflag:s22] =	ssyncset.done $0x0  }
0xa0: {  	[sflag:s22] =	ssyncadd.s32 s4;
	_ =	sdelay $0x1  }
0xa1: {  	s23 =	simm.s32 $0x1B8B  }
0xa2: {  	_ =	swait.ge [sflag:s23], $0x1  }
0xa3: {  	[sflag:s23] =	ssyncset.done $0x0  }
0xa4: {  	s25 =	simm.s32 $0x1B8E;
	s24 =	sld [smem:$0x3FFE];
	[sflag:s23] =	ssyncadd.s32 $0xFFFFFFFF  }
0xa5: {  	s26 =	simm.s32 $execute0_lowered;
	[smem:$0x3FD2] =	sst s25  }
0xa6: {  	s5 =	sshll.u32 s26, $0x1;
	_ =	strace $0x80000046;
	[dreg:$0x1] =	wrdreg $0xFFFFFFFF  }
0xa7: {  	s28 =	simm.s32 $_size_execute0_lowered;
	s3 =	sadd.s32 s3, s5;
	[dreg:$0x0] =	wrdreg $0x0  }
0xa8: {  	s5 =	sshll.u32 s28, $0x1;
	[dreg:$0x2] =	wrdreg s3  }
0xa9: {  	[dreg:$0x3] =	wrdreg s5  }
0xaa: {  	[dreg:$0x4] =	wrdreg $0xC0  }
0xab: {  	_ =	task [dreg:s7], $0x5FFFF  }
0xac: {  	[dreg:$0x1] =	wrdreg $0xFFFFFFFF  }
0xad: {  	[dreg:$0x0] =	wrdreg $0x60  }
0xae: {  	[dreg:$0x2] =	wrdreg s24  }
0xaf: {  	[dreg:$0x3] =	wrdreg s2  }
0xb0: {  	[dreg:$0x4] =	wrdreg $0x9  }
0xb1: {  	_ =	task.clear_ibuf [dreg:s7], $0x5FFFF;
	_ =	strace $0x90000046  }
0xb2: {  	s29 =	simm.s32 $0x9;
	_ =	strace $0x80000048  }
0xb3: {  	_ =	swait.ge [sflag:s29], $0x1  }
0xb4: {  	[sflag:s29] =	ssyncadd.s32 $0xFFFFFFFF  }
0xb5: {  	_ =	strace $0x90000048  }
0xb6: {  	_ =	sfence  }
0xb7: {  	s30 =	sld [smem:$0x0];
	_ =	sdelay $0x2  }
0xb8: {  	s31 =	sshll.u32 s1, $0xD;
	s1 =	sshrl.u32 s1, $0x2  }
0xb9: {  	s3 =	sand.u32 $0x4000, s31;
	s1 =	sadd.s32 s1, s30  }
0xba: {  	s0 =	sor.u32 s3, s0;
	s1 =	sshll.u32 s1, $0x11  }
0xbb: {  	s0 =	sor.u32 s1, s0  }
0xbc: {  	s0 =	sadd.s32 $0x8F2B, s0  }
0xbd: {  	[sflag:s0] =	ssyncadd.remote.s32 $0x1  }
0xbe: {  	_ =	sfence.sel $0xFFFF  }
0xbf: {  	[dreg:$0x0] =	wrdreg $0xFFFFFFFF;
	(pc) =	sbr.abs _section_cstart, $3  }
0xc0: {  	[dreg:$0x1] =	wrdreg $0xFFFFFFFF  }
0xc1: {  	_ =	task.clear_ibuf [dreg:s7], $0x2FFFF;
	_ =	strace $0x9FFFFFFF  }
0xc2: {  	(tm) =	ssettm $0x7FFFFFFF  }
0xc3: {  	_ =	shalt  }
tec
execute0_lowered:
.L_overlay_start_1:
0x0: {  	(tag) =	ssettag $0x1  }
0x1: {  	s1 =	srdreg.scid  }
0x2: {  	s22 =	rddreg [dreg:$0x0];
	s0 =	stileid.u32;
	s23 =	sand.u32 $0x1, s1  }
0x3: {  	s3 =	rddreg [dreg:$0x1];
	s4 =	sshll.u32 s0, $0xB;
	s5 =	sshll.u32 s23, $0xA  }
0x4: {  	s2 =	simm.s32 $0x0;
	s1 =	rddreg [dreg:$0x2];
	s24 =	sor.u32 s5, s4  }
0x5: {  	[smem:$0x7FF] =	sst s2;
	s4 =	sshrl.u32 s24, $0x3  }
0x6: {  	_ =	strace $0x80000047;
	s4 =	sadd.s32 s3, s4;
	s3 =	simm.s32 $0x2  }
0x7: {  	[tilespmem:s2], [sflag:$0x2] =	stream.linear.gather [hbm4b:s4+s2], $0x400, $0x38;
	[tilespmem:$0x2400] =	vst v63  }
0x8: {  	_ =	swait.ge [sflag:s3], $0x400  }
0x9: {  	s6 =	simm.s32 $0x80;
	[sflag:s3] =	ssyncset.done $0x0  }
0xa: {  	s7 =	simm.s32 $0x400;
	s5 =	sadd.s32 $0x80000, s22;
	[sflag:s3] =	ssyncadd.s32 $0xFFFFFC00  }
0xb: {  	[tilespmem:s7], [sflag:$0x1] =	stream.indirect.gather [hbm4b:s5+s6], $0x8, s2, s6, $0xb8;
	[tilespmem:$0x2400] =	vst v63  }
0xc: {  	s8 =	simm.s32 $0x800  }
0xd: {  	[tilespmem:s8], [sflag:$0x1] =	stream.indirect.gather [hbm4b:s5+s6], $0x8, s6, s6, $0xb8;
	[tilespmem:$0x2400] =	vst v63  }
0xe: {  	s9 =	simm.s32 $0x100;
	s10 =	simm.s32 $0xC00  }
0xf: {  	[tilespmem:s10], [sflag:$0x1] =	stream.indirect.gather [hbm4b:s5+s6], $0x8, s9, s6, $0xb8;
	[tilespmem:$0x2400] =	vst v63  }
0x10: {  	s11 =	simm.s32 $0x180;
	s12 =	simm.s32 $0x1000  }
0x11: {  	[tilespmem:s12], [sflag:$0x1] =	stream.indirect.gather [hbm4b:s5+s6], $0x8, s11, s6, $0xb8;
	[tilespmem:$0x2400] =	vst v63  }
0x12: {  	s13 =	simm.s32 $0x200;
	s14 =	simm.s32 $0x1400  }
0x13: {  	[tilespmem:s14], [sflag:$0x1] =	stream.indirect.gather [hbm4b:s5+s6], $0x8, s13, s6, $0xb8;
	[tilespmem:$0x2400] =	vst v63  }
0x14: {  	s15 =	simm.s32 $0x280;
	s16 =	simm.s32 $0x1800  }
0x15: {  	[tilespmem:s16], [sflag:$0x1] =	stream.indirect.gather [hbm4b:s5+s6], $0x8, s15, s6, $0xb8;
	[tilespmem:$0x2400] =	vst v63  }
0x16: {  	s17 =	simm.s32 $0x300;
	s18 =	simm.s32 $0x1C00  }
0x17: {  	[tilespmem:s18], [sflag:$0x1] =	stream.indirect.gather [hbm4b:s5+s6], $0x8, s17, s6, $0xb8;
	[tilespmem:$0x2400] =	vst v63  }
0x18: {  	s19 =	simm.s32 $0x380;
	s20 =	simm.s32 $0x2000;
	s21 =	simm.s32 $0x1  }
0x19: {  	[tilespmem:s20], [sflag:$0x1] =	stream.indirect.gather [hbm4b:s5+s6], $0x8, s19, s6, $0xb8;
	[tilespmem:$0x2400] =	vst v63  }
0x1a: {  	_ =	swait.ge [sflag:s21], $0x400  }
0x1b: {  	[sflag:s21] =	ssyncset.done $0x0  }
0x1c: {  	[sflag:s21] =	ssyncadd.s32 $0xFFFFFC00  }
0x1d: {  	_ =	swait.ge [sflag:s21], $0x400  }
0x1e: {  	[sflag:s21] =	ssyncset.done $0x0  }
0x1f: {  	[sflag:s21] =	ssyncadd.s32 $0xFFFFFC00  }
0x20: {  	_ =	swait.ge [sflag:s21], $0x400  }
0x21: {  	[sflag:s21] =	ssyncset.done $0x0  }
0x22: {  	[sflag:s21] =	ssyncadd.s32 $0xFFFFFC00  }
0x23: {  	_ =	swait.ge [sflag:s21], $0x400  }
0x24: {  	[sflag:s21] =	ssyncset.done $0x0  }
0x25: {  	[sflag:s21] =	ssyncadd.s32 $0xFFFFFC00  }
0x26: {  	_ =	swait.ge [sflag:s21], $0x400  }
0x27: {  	[sflag:s21] =	ssyncset.done $0x0  }
0x28: {  	[sflag:s21] =	ssyncadd.s32 $0xFFFFFC00  }
0x29: {  	_ =	swait.ge [sflag:s21], $0x400  }
0x2a: {  	[sflag:s21] =	ssyncset.done $0x0  }
0x2b: {  	s23 =	ssub.s32 $0x2, s23;
	[sflag:s21] =	ssyncadd.s32 $0xFFFFFC00  }
0x2c: {  	s25 =	sshrl.u32 s23, $0x1;
	_ =	swait.ge [sflag:s21], $0x400  }
0x2d: {  	s23 =	ssub.s32 s23, s25;
	[sflag:s21] =	ssyncset.done $0x0  }
0x2e: {  	s23 =	smax.u32 s23, $0x1;
	[sflag:s21] =	ssyncadd.s32 $0xFFFFFC00  }
0x2f: {  	p0 =	sne.s32 s23, $0x1;
	_ =	swait.ge [sflag:s21], $0x400  }
.Ltmp0:
0x30: {  	[sflag:s21] =	ssyncset.done $0x0;
	(pc) =	sbr.rel @!p0 .LBB2_2-.Ltmp0, $4  }
0x31: {  	s22 =	sadd.s32 s22, s24;
	[sflag:s21] =	ssyncadd.s32 $0xFFFFFC00  }
0x32: {  	[hbm4b:s22+s2] =	stream.linear.scatter [tilespmem:s7], [sflag:$0x2], $0x2000, $0x38;
	[tilespmem:$0x2400] =	vst v63  }
0x33: {  	_ =	swait.ge [sflag:s3], $0x2000  }
0x34: {  	s23 =	sadd.s32 $0xFFFFFFFF, s23;
	[sflag:s3] =	ssyncset.done $0x0  }
.LBB2_1:
0x35: {  	p0 =	sne.s32 s23, $0x1;
	s23 =	sadd.s32 $0xFFFFFFFF, s23;
	[sflag:s3] =	ssyncadd.s32 $0xFFFFE000  }
0x36: {  	[tilespmem:s2], [sflag:$0x2] =	stream.linear.gather [hbm4b:s4+s2], $0x400, $0x38;
	[tilespmem:$0x2400] =	vst v63  }
0x37: {  	_ =	swait.ge [sflag:s3], $0x400  }
0x38: {  	[sflag:s3] =	ssyncset.done $0x0  }
0x39: {  	[sflag:s3] =	ssyncadd.s32 $0xFFFFFC00  }
0x3a: {  	[tilespmem:s7], [sflag:$0x1] =	stream.indirect.gather [hbm4b:s5+s6], $0x8, s2, s6, $0xb8;
	[tilespmem:$0x2400] =	vst v63  }
0x3b: {  	_ = 	snop  }
0x3c: {  	[tilespmem:s8], [sflag:$0x1] =	stream.indirect.gather [hbm4b:s5+s6], $0x8, s6, s6, $0xb8;
	[tilespmem:$0x2400] =	vst v63  }
0x3d: {  	_ = 	snop  }
0x3e: {  	[tilespmem:s10], [sflag:$0x1] =	stream.indirect.gather [hbm4b:s5+s6], $0x8, s9, s6, $0xb8;
	[tilespmem:$0x2400] =	vst v63  }
0x3f: {  	_ = 	snop  }
0x40: {  	[tilespmem:s12], [sflag:$0x1] =	stream.indirect.gather [hbm4b:s5+s6], $0x8, s11, s6, $0xb8;
	[tilespmem:$0x2400] =	vst v63  }
0x41: {  	_ = 	snop  }
0x42: {  	[tilespmem:s14], [sflag:$0x1] =	stream.indirect.gather [hbm4b:s5+s6], $0x8, s13, s6, $0xb8;
	[tilespmem:$0x2400] =	vst v63  }
0x43: {  	_ = 	snop  }
0x44: {  	[tilespmem:s16], [sflag:$0x1] =	stream.indirect.gather [hbm4b:s5+s6], $0x8, s15, s6, $0xb8;
	[tilespmem:$0x2400] =	vst v63  }
0x45: {  	_ = 	snop  }
0x46: {  	[tilespmem:s18], [sflag:$0x1] =	stream.indirect.gather [hbm4b:s5+s6], $0x8, s17, s6, $0xb8;
	[tilespmem:$0x2400] =	vst v63  }
0x47: {  	_ = 	snop  }
0x48: {  	[tilespmem:s20], [sflag:$0x1] =	stream.indirect.gather [hbm4b:s5+s6], $0x8, s19, s6, $0xb8;
	[tilespmem:$0x2400] =	vst v63  }
0x49: {  	_ =	swait.ge [sflag:s21], $0x400  }
0x4a: {  	[sflag:s21] =	ssyncset.done $0x0  }
0x4b: {  	[sflag:s21] =	ssyncadd.s32 $0xFFFFFC00  }
0x4c: {  	_ =	swait.ge [sflag:s21], $0x400  }
0x4d: {  	[sflag:s21] =	ssyncset.done $0x0  }
0x4e: {  	[sflag:s21] =	ssyncadd.s32 $0xFFFFFC00  }
0x4f: {  	_ =	swait.ge [sflag:s21], $0x400  }
0x50: {  	[sflag:s21] =	ssyncset.done $0x0  }
0x51: {  	[sflag:s21] =	ssyncadd.s32 $0xFFFFFC00  }
0x52: {  	_ =	swait.ge [sflag:s21], $0x400  }
0x53: {  	[sflag:s21] =	ssyncset.done $0x0  }
0x54: {  	[sflag:s21] =	ssyncadd.s32 $0xFFFFFC00  }
0x55: {  	_ =	swait.ge [sflag:s21], $0x400  }
0x56: {  	[sflag:s21] =	ssyncset.done $0x0  }
0x57: {  	[sflag:s21] =	ssyncadd.s32 $0xFFFFFC00  }
0x58: {  	_ =	swait.ge [sflag:s21], $0x400  }
0x59: {  	[sflag:s21] =	ssyncset.done $0x0  }
0x5a: {  	[sflag:s21] =	ssyncadd.s32 $0xFFFFFC00  }
0x5b: {  	_ =	swait.ge [sflag:s21], $0x400  }
0x5c: {  	[sflag:s21] =	ssyncset.done $0x0  }
0x5d: {  	[sflag:s21] =	ssyncadd.s32 $0xFFFFFC00  }
0x5e: {  	_ =	swait.ge [sflag:s21], $0x400  }
.Ltmp1:
0x5f: {  	[sflag:s21] =	ssyncset.done $0x0;
	(pc) =	sbr.rel @p0 .LBB2_1-.Ltmp1, $4  }
0x60: {  	[sflag:s21] =	ssyncadd.s32 $0xFFFFFC00  }
0x61: {  	[hbm4b:s22+s2] =	stream.linear.scatter [tilespmem:s7], [sflag:$0x2], $0x2000, $0x38;
	[tilespmem:$0x2400] =	vst v63  }
0x62: {  	_ =	swait.ge [sflag:s3], $0x2000  }
0x63: {  	[sflag:s3] =	ssyncset.done $0x0  }
.LBB2_2:
0x64: {  	[sflag:s3] =	ssyncadd.s32 $0xFFFFE000  }
0x65: {  	_ =	sfence.sel $0x180000  }
0x66: {  	[bflag:$0x0] =	sbarrier.arrive $0xFFFF  }
0x67: {  	p0 =	sne.s32 s0, $0x0;
	_ =	strace $0x90000047  }
0x68: {  	s0 =	sadd.s32 @!p0 $0x100000, s1;
	[bflag:$0x2] =	sbarrier.arrive $0xFFFF  }
0x69: {  	[sflag:s0] =	ssyncadd.tile.s32 @!p0 $0x1;
	_ =	shalt  }
.Lfunc_end2:
_tile_overlayer_lowered:
.L_overlay_start_2:
0x6a: {  	(tag) =	ssettag $0x2  }
0x6b: {  	s0 =	rddreg [dreg:$0x0];
	s2 =	stileid.u32  }
0x6c: {  	s1 =	rddreg [dreg:$0x1];
	p0 =	sne.s32 s2, $0x0  }
0x6d: {  	s3 =	rddreg [dreg:$0x2];
	[bflag:$0x3] =	sbarrier.arrive $0xFFFF;
	s2 =	simm.s32 @!p0 $0x1C02  }
0x6e: {  	[timem:s3], [sflag:s2] =	dma.local @!p0 [hbm:s0], s1  }
0x6f: {  	s0 =	simm.s32 @!p0 $0x2  }
0x70: {  	_ =	swait.ge @!p0 [sflag:s0], s1  }
0x71: {  	s1 =	ssub.s32 @!p0 $0x0, s1;
	[sflag:s0] =	ssyncset.done @!p0 $0x0  }
0x72: {  	[sflag:s0] =	ssyncadd.s32 @!p0 s1  }
0x73: {  	[bflag:$0x3] =	sbarrier.arrive $0xFFFF  }
0x74: {  	_ =	shalt  }

// kernel: kernel.8.cloned.1.call-start
scs
__scs_entry_jumppad:
0x0: {  	(pc) =	sbr.rel $0x88, $3  }
0x1: {  	(tag) =	ssettag $0x0;
	lr =	simm.s32 $0x1  }
0x2: {  	[smem:$0x3F99] =	sst lr;
	_ =	strace $0xD0000000  }
0x3: {  	_ = 	snop  }
0x4: {  	_ = 	snop  }
0x5: {  	_ = 	snop  }
0x6: {  	_ = 	snop  }
0x7: {  	_ = 	snop  }
__scs_overlays_trampoline_lowered:
0x8: {  	[smem:$0x3FA8] =	sst s0  }
0x9: {  	[smem:$0x3FA9] =	sst s1  }
0xa: {  	[smem:$0x3FAA] =	sst s2  }
0xb: {  	[smem:$0x3FAB] =	sst s3  }
0xc: {  	[smem:$0x3FAC] =	sst s4  }
0xd: {  	[smem:$0x3FAD] =	sst s5  }
0xe: {  	[smem:$0x3FAE] =	sst s6  }
0xf: {  	[smem:$0x3FAF] =	sst s7  }
0x10: {  	[smem:$0x3FB0] =	sst s8  }
0x11: {  	[smem:$0x3FB1] =	sst s9;
	s0 =	simm.s32 @!p0 $0x0  }
0x12: {  	s1 =	sld [smem:$0x3F97];
	s0 =	simm.s32 @p0 $0x1  }
0x13: {  	[smem:$0x3FB2] =	sst s0;
	s0 =	simm.s32 @!p1 $0x0  }
0x14: {  	s2 =	sld [smem:$0x3F96];
	s0 =	simm.s32 @p1 $0x1  }
0x15: {  	[smem:$0x3FB3] =	sst s0;
	s0 =	simm.s32 @!p2 $0x0  }
0x16: {  	s3 =	sld [smem:$0x3FDB];
	s0 =	simm.s32 @p2 $0x1  }
0x17: {  	s4 =	simm.s32 $0x1BF5;
	[smem:$0x3FB5] =	sst s0  }
0x18: {  	s0 =	sld [smem:$0x3F98];
	_ =	swait.ge [sflag:s4], $0x0  }
0x19: {  	s7 =	sld [smem:$0x3F99]  }
0x1a: {  	s8 =	sadd.s32 $0xFFFFE003, lr  }
0x1b: {  	s9 =	sadd.s32 $0xFFFFFEF7, lr;
	s5 =	simm.s32 $0xFFFFFFFF;
	p2 =	slt.u32 s8, $0xFFFFF086  }
0x1c: {  	p1 =	slt.u32 s9, $0xF7A;
	s5 =	simm.s32 @!p2 $0x0  }
0x1d: {  	s5 =	simm.s32 @p1 $0x1;
	p0 =	seq.s32 s7, s2  }
0x1e: {  	s7 =	smul.u32 @!p0 $0xF7A, s2;
	p2 =	seq.s32 @!p0 s5, $0x0  }
0x1f: {  	s9 =	smul.u32 $0xF7A, s1;
	s8 =	simm.s32 @!p0 $0x1BF5;
	p2 =	por !p2, p0  }
0x20: {  	[sflag:s8] =	ssyncset.s32 @!p0 $0xFFFFF086;
	s6 =	sadd.s32 @!p0 s3, s7;
	s7 =	simm.s32 @!p0 $0x108  }
0x21: {  	s3 =	sadd.s32 s3, s9;
	s6 =	sadd.s32 @!p0 $0x88, s6;
	s7 =	simm.s32 @p2 $0x1082  }
0x22: {  	[simem:s7], [sflag:s8] =	dma.local @!p0 [hbm:s6], $0xF7A  }
0x23: {  	s9 =	sor.u32 $0xD0000000, s2;
	s6 =	simm.s32 $0x108;
	_ =	swait.ge @!p0 [sflag:s8], $0x0  }
0x24: {  	s3 =	sadd.s32 $0x88, s3;
	s6 =	simm.s32 @!p1 $0x1082;
	[sflag:s4] =	ssyncset.s32 $0xFFFFF086  }
0x25: {  	[simem:s6], [sflag:s4] =	dma.local [hbm:s3], $0xF7A  }
0x26: {  	[smem:$0x3F99] =	sst s1;
	(tag) =	ssettag s2;
	_ =	strace s9  }
0x27: {  	s1 =	sld [smem:$0x3FA9]  }
0x28: {  	s2 =	sld [smem:$0x3FAA]  }
0x29: {  	s4 =	sld [smem:$0x3FAC]  }
0x2a: {  	p0 =	seq.s32 s5, $0x0;
	s5 =	sld [smem:$0x3FAD]  }
0x2b: {  	s6 =	sld [smem:$0x3FAE]  }
0x2c: {  	s7 =	sld [smem:$0x3FAF]  }
0x2d: {  	s3 =	simm.s32 $0x108;
	s8 =	sld [smem:$0x3FB0]  }
0x2e: {  	s3 =	simm.s32 @!p0 $0x1082;
	s9 =	sld [smem:$0x3FB1]  }
0x2f: {  	lr =	sadd.s32 s0, s3;
	s0 =	sld [smem:$0x3FA8]  }
0x30: {  	s3 =	sld [smem:$0x3FAB]  }
0x31: {  	[smem:$0x3FB4] =	sst s10  }
0x32: {  	s10 =	sld [smem:$0x3FB2];
	_ =	sdelay $0x3  }
0x33: {  	p0 =	seq.s32 s10, $0x1;
	s10 =	sld [smem:$0x3FB4];
	_ =	sdelay $0x3  }
0x34: {  	[smem:$0x3FB4] =	sst s10  }
0x35: {  	s10 =	sld [smem:$0x3FB3];
	_ =	sdelay $0x3  }
0x36: {  	p1 =	seq.s32 s10, $0x1;
	s10 =	sld [smem:$0x3FB4];
	_ =	sdelay $0x3  }
0x37: {  	[smem:$0x3FB4] =	sst s10  }
0x38: {  	s10 =	sld [smem:$0x3FB5]  }
0x39: {  	_ = 	snop;
	(pc) =	sbr.ind lr, $3  }
0x3a: {  	_ = 	snop  }
0x3b: {  	_ = 	snop  }
0x3c: {  	p2 =	seq.s32 s10, $0x1;
	s10 =	sld [smem:$0x3FB4]  }
0x3d: {  	_ =	shalt  }
0x3e: {  	_ =	shalt  }
0x3f: {  	_ =	shalt  }
0x40: {  	_ =	shalt  }
0x41: {  	_ =	shalt  }
0x42: {  	_ =	shalt  }
0x43: {  	_ =	shalt  }
0x44: {  	_ =	shalt  }
0x45: {  	_ =	shalt  }
0x46: {  	_ =	shalt  }
0x47: {  	_ =	shalt  }
0x48: {  	_ =	shalt  }
0x49: {  	_ =	shalt  }
0x4a: {  	_ =	shalt  }
0x4b: {  	_ =	shalt  }
0x4c: {  	_ =	shalt  }
0x4d: {  	_ =	shalt  }
0x4e: {  	_ =	shalt  }
0x4f: {  	_ =	shalt  }
0x50: {  	_ =	shalt  }
0x51: {  	_ =	shalt  }
0x52: {  	_ =	shalt  }
0x53: {  	_ =	shalt  }
0x54: {  	_ =	shalt  }
0x55: {  	_ =	shalt  }
0x56: {  	_ =	shalt  }
0x57: {  	_ =	shalt  }
0x58: {  	_ =	shalt  }
0x59: {  	_ =	shalt  }
0x5a: {  	_ =	shalt  }
0x5b: {  	_ =	shalt  }
0x5c: {  	_ =	shalt  }
0x5d: {  	_ =	shalt  }
0x5e: {  	_ =	shalt  }
0x5f: {  	_ =	shalt  }
0x60: {  	_ =	shalt  }
0x61: {  	_ =	shalt  }
0x62: {  	_ =	shalt  }
0x63: {  	_ =	shalt  }
0x64: {  	_ =	shalt  }
0x65: {  	_ =	shalt  }
0x66: {  	_ =	shalt  }
0x67: {  	_ =	shalt  }
0x68: {  	_ =	shalt  }
0x69: {  	_ =	shalt  }
0x6a: {  	_ =	shalt  }
0x6b: {  	_ =	shalt  }
0x6c: {  	_ =	shalt  }
0x6d: {  	_ =	shalt  }
0x6e: {  	_ =	shalt  }
0x6f: {  	_ =	shalt  }
0x70: {  	_ =	shalt  }
0x71: {  	_ =	shalt  }
0x72: {  	_ =	shalt  }
0x73: {  	_ =	shalt  }
0x74: {  	_ =	shalt  }
0x75: {  	_ =	shalt  }
0x76: {  	_ =	shalt  }
0x77: {  	_ =	shalt  }
0x78: {  	_ =	shalt  }
0x79: {  	_ =	shalt  }
0x7a: {  	_ =	shalt  }
0x7b: {  	_ =	shalt  }
0x7c: {  	_ =	shalt  }
0x7d: {  	_ =	shalt  }
0x7e: {  	_ =	shalt  }
0x7f: {  	_ =	shalt  }
0x80: {  	_ =	shalt  }
0x81: {  	_ =	shalt  }
0x82: {  	_ =	shalt  }
0x83: {  	_ =	shalt  }
0x84: {  	_ =	shalt  }
0x85: {  	_ =	shalt  }
0x86: {  	_ =	shalt  }
0x87: {  	_ =	shalt  }
.Lfunc_end0:
.L_simem_size_0:
called_computation.1_lowered:
.L_overlay_start_0:
0x88: {  	s2 =	sld [smem:$0x3FD9]  }
0x89: {  	s3 =	sld [smem:$0x3FFE];
	_ =	sdelay $0x1  }
0x8a: {  	s1 =	srdreg.scid  }
0x8b: {  	s0 =	sand.u32 $0x1, s1  }
0x8c: {  	s17 =	sshll.u32 s0, $0xA;
	s2 =	sadd.s32 s3, s2  }
0x8d: {  	s2 =	sadd.s32 s2, s17  }
0x8e: {  	[smem:$0x3FC0] =	sst s2  }
0x8f: {  	_ = 	snop  }
0x90: {  	s2 =	sld [smem:$0x3FD0];
	(tm) =	ssettm $0x1  }
0x91: {  	s18 =	sld [smem:$0x3FFB];
	_ =	sdelay $0x3  }
0x92: {  	_ =	strace s18  }
0x93: {  	s3 =	sld [smem:$0x3FFC];
	_ =	sdelay $0x3  }
0x94: {  	_ =	strace s3  }
0x95: {  	s3 =	sld [smem:$0x3FFD];
	_ =	sdelay $0x3  }
0x96: {  	_ =	strace s3  }
0x97: {  	_ =	strace $0x8FFFFFFF  }
0x98: {  	s19 =	sld [smem:$0x3FDB];
	_ =	sdelay $0x1  }
0x99: {  	s4 =	simm.s32 $_scs_section_size  }
0x9a: {  	s5 =	simm.s32 $_size__tile_overlayer_lowered;
	s6 =	simm.s32 $_tile_overlayer_lowered  }
0x9b: {  	s22 =	simm.s32 $0x1BFF;
	s21 =	sshll.u32 s6, $0x1;
	s3 =	sadd.s32 s4, s19  }
0x9c: {  	s7 =	simm.s32 $0x0;
	s20 =	sshll.u32 s5, $0x1;
	s5 =	sadd.s32 s21, s3  }
0x9d: {  	[timem:s7], [sflag:s22] =	dma.local [hbm:s5], s20  }
0x9e: {  	_ =	swait.ge [sflag:s22], s20  }
0x9f: {  	s4 =	ssub.s32 $0x0, s20;
	[sflag:s22] =	ssyncset.done $0x0  }
0xa0: {  	[sflag:s22] =	ssyncadd.s32 s4;
	_ =	sdelay $0x1  }
0xa1: {  	s23 =	simm.s32 $0x1B8B  }
0xa2: {  	_ =	swait.ge [sflag:s23], $0x1  }
0xa3: {  	[sflag:s23] =	ssyncset.done $0x0  }
0xa4: {  	s25 =	simm.s32 $0x1B8E;
	s24 =	sld [smem:$0x3FFE];
	[sflag:s23] =	ssyncadd.s32 $0xFFFFFFFF  }
0xa5: {  	s26 =	simm.s32 $execute0_lowered;
	[smem:$0x3FD2] =	sst s25  }
0xa6: {  	s5 =	sshll.u32 s26, $0x1;
	_ =	strace $0x80000049;
	[dreg:$0x1] =	wrdreg $0xFFFFFFFF  }
0xa7: {  	s28 =	simm.s32 $_size_execute0_lowered;
	s3 =	sadd.s32 s3, s5;
	[dreg:$0x0] =	wrdreg $0x0  }
0xa8: {  	s5 =	sshll.u32 s28, $0x1;
	[dreg:$0x2] =	wrdreg s3  }
0xa9: {  	[dreg:$0x3] =	wrdreg s5  }
0xaa: {  	[dreg:$0x4] =	wrdreg $0xC0  }
0xab: {  	_ =	task [dreg:s7], $0x5FFFF  }
0xac: {  	[dreg:$0x1] =	wrdreg $0xFFFFFFFF  }
0xad: {  	[dreg:$0x0] =	wrdreg $0x60  }
0xae: {  	[dreg:$0x2] =	wrdreg s24  }
0xaf: {  	[dreg:$0x3] =	wrdreg s2  }
0xb0: {  	[dreg:$0x4] =	wrdreg $0x9  }
0xb1: {  	_ =	task.clear_ibuf [dreg:s7], $0x5FFFF;
	_ =	strace $0x90000049  }
0xb2: {  	s29 =	simm.s32 $0x9;
	_ =	strace $0x8000004B  }
0xb3: {  	_ =	swait.ge [sflag:s29], $0x1  }
0xb4: {  	[sflag:s29] =	ssyncadd.s32 $0xFFFFFFFF  }
0xb5: {  	_ =	strace $0x9000004B  }
0xb6: {  	_ =	sfence  }
0xb7: {  	s30 =	sld [smem:$0x0];
	_ =	sdelay $0x2  }
0xb8: {  	s31 =	sshll.u32 s1, $0xD;
	s1 =	sshrl.u32 s1, $0x2  }
0xb9: {  	s3 =	sand.u32 $0x4000, s31;
	s1 =	sadd.s32 s1, s30  }
0xba: {  	s0 =	sor.u32 s3, s0;
	s1 =	sshll.u32 s1, $0x11  }
0xbb: {  	s0 =	sor.u32 s1, s0  }
0xbc: {  	s0 =	sadd.s32 $0x8F2B, s0  }
0xbd: {  	[sflag:s0] =	ssyncadd.remote.s32 $0x1  }
0xbe: {  	_ =	sfence.sel $0xFFFF  }
0xbf: {  	[dreg:$0x0] =	wrdreg $0xFFFFFFFF;
	(pc) =	sbr.abs _section_cstart, $3  }
0xc0: {  	[dreg:$0x1] =	wrdreg $0xFFFFFFFF  }
0xc1: {  	_ =	task.clear_ibuf [dreg:s7], $0x2FFFF;
	_ =	strace $0x9FFFFFFF  }
0xc2: {  	(tm) =	ssettm $0x7FFFFFFF  }
0xc3: {  	_ =	shalt  }
tec
execute0_lowered:
.L_overlay_start_1:
0x0: {  	(tag) =	ssettag $0x1  }
0x1: {  	s1 =	srdreg.scid  }
0x2: {  	s7 =	rddreg [dreg:$0x0];
	s0 =	stileid.u32;
	s23 =	sand.u32 $0x1, s1  }
0x3: {  	s3 =	rddreg [dreg:$0x1];
	s4 =	sshll.u32 s0, $0xB;
	s5 =	sshll.u32 s23, $0xA  }
0x4: {  	s2 =	simm.s32 $0x0;
	s1 =	rddreg [dreg:$0x2];
	s5 =	sor.u32 s5, s4  }
0x5: {  	[smem:$0x7FF] =	sst s2;
	s4 =	sshrl.u32 s5, $0x3  }
0x6: {  	_ =	strace $0x8000004A;
	s3 =	sadd.s32 s3, s4;
	s4 =	simm.s32 $0x2  }
0x7: {  	[tilespmem:s2], [sflag:$0x2] =	stream.linear.gather [hbm4b:s3+s2], $0x400, $0x38;
	[tilespmem:$0x2400] =	vst v63  }
0x8: {  	_ =	swait.ge [sflag:s4], $0x400  }
0x9: {  	[sflag:s4] =	ssyncset.done $0x0  }
0xa: {  	s6 =	simm.s32 $0x400;
	s5 =	sadd.s32 s7, s5;
	[sflag:s4] =	ssyncadd.s32 $0xFFFFFC00  }
0xb: {  	[tilespmem:s6], [sflag:$0x2] =	stream.linear.gather [hbm4b:s5+s2], $0x2000, $0x38;
	[tilespmem:$0x2400] =	vst v63  }
0xc: {  	_ =	swait.ge [sflag:s4], $0x2000  }
0xd: {  	[sflag:s4] =	ssyncset.done $0x0  }
0xe: {  	s8 =	simm.s32 $0x80;
	s7 =	sadd.s32 $0x8000, s7;
	[sflag:s4] =	ssyncadd.s32 $0xFFFFE000  }
0xf: {  	[hbm4b:s7+s8] =	stream.indirect.scatter [tilespmem:s6], [sflag:$0x1], $0x8, s2, s8, $0xb8;
	[tilespmem:$0x2400] =	vst v63  }
0x10: {  	s9 =	simm.s32 $0x800  }
0x11: {  	[hbm4b:s7+s8] =	stream.indirect.scatter [tilespmem:s9], [sflag:$0x1], $0x8, s8, s8, $0xb8;
	[tilespmem:$0x2400] =	vst v63  }
0x12: {  	s10 =	simm.s32 $0x100;
	s11 =	simm.s32 $0xC00  }
0x13: {  	[hbm4b:s7+s8] =	stream.indirect.scatter [tilespmem:s11], [sflag:$0x1], $0x8, s10, s8, $0xb8;
	[tilespmem:$0x2400] =	vst v63  }
0x14: {  	s12 =	simm.s32 $0x180;
	s13 =	simm.s32 $0x1000  }
0x15: {  	[hbm4b:s7+s8] =	stream.indirect.scatter [tilespmem:s13], [sflag:$0x1], $0x8, s12, s8, $0xb8;
	[tilespmem:$0x2400] =	vst v63  }
0x16: {  	s14 =	simm.s32 $0x200;
	s15 =	simm.s32 $0x1400  }
0x17: {  	[hbm4b:s7+s8] =	stream.indirect.scatter [tilespmem:s15], [sflag:$0x1], $0x8, s14, s8, $0xb8;
	[tilespmem:$0x2400] =	vst v63  }
0x18: {  	s16 =	simm.s32 $0x280;
	s17 =	simm.s32 $0x1800  }
0x19: {  	[hbm4b:s7+s8] =	stream.indirect.scatter [tilespmem:s17], [sflag:$0x1], $0x8, s16, s8, $0xb8;
	[tilespmem:$0x2400] =	vst v63  }
0x1a: {  	s18 =	simm.s32 $0x300;
	s19 =	simm.s32 $0x1C00  }
0x1b: {  	[hbm4b:s7+s8] =	stream.indirect.scatter [tilespmem:s19], [sflag:$0x1], $0x8, s18, s8, $0xb8;
	[tilespmem:$0x2400] =	vst v63  }
0x1c: {  	s20 =	simm.s32 $0x380;
	s22 =	simm.s32 $0x2000;
	s21 =	simm.s32 $0x1  }
0x1d: {  	[hbm4b:s7+s8] =	stream.indirect.scatter [tilespmem:s22], [sflag:$0x1], $0x8, s20, s8, $0xb8;
	[tilespmem:$0x2400] =	vst v63  }
0x1e: {  	_ =	swait.ge [sflag:s21], $0x400  }
0x1f: {  	[sflag:s21] =	ssyncset.done $0x0  }
0x20: {  	[sflag:s21] =	ssyncadd.s32 $0xFFFFFC00  }
0x21: {  	_ =	swait.ge [sflag:s21], $0x400  }
0x22: {  	[sflag:s21] =	ssyncset.done $0x0  }
0x23: {  	[sflag:s21] =	ssyncadd.s32 $0xFFFFFC00  }
0x24: {  	_ =	swait.ge [sflag:s21], $0x400  }
0x25: {  	[sflag:s21] =	ssyncset.done $0x0  }
0x26: {  	[sflag:s21] =	ssyncadd.s32 $0xFFFFFC00  }
0x27: {  	_ =	swait.ge [sflag:s21], $0x400  }
0x28: {  	[sflag:s21] =	ssyncset.done $0x0  }
0x29: {  	[sflag:s21] =	ssyncadd.s32 $0xFFFFFC00  }
0x2a: {  	_ =	swait.ge [sflag:s21], $0x400  }
0x2b: {  	s23 =	ssub.s32 $0x2, s23;
	[sflag:s21] =	ssyncset.done $0x0  }
0x2c: {  	s24 =	sshrl.u32 s23, $0x1;
	[sflag:s21] =	ssyncadd.s32 $0xFFFFFC00  }
0x2d: {  	s23 =	ssub.s32 s23, s24;
	_ =	swait.ge [sflag:s21], $0x400  }
0x2e: {  	s23 =	smax.u32 s23, $0x1;
	[sflag:s21] =	ssyncset.done $0x0  }
0x2f: {  	p0 =	sne.s32 s23, $0x1;
	[sflag:s21] =	ssyncadd.s32 $0xFFFFFC00  }
.Ltmp0:
0x30: {  	_ =	swait.ge [sflag:s21], $0x400;
	(pc) =	sbr.rel @!p0 .LBB2_2-.Ltmp0, $4  }
0x31: {  	[sflag:s21] =	ssyncset.done $0x0  }
0x32: {  	[sflag:s21] =	ssyncadd.s32 $0xFFFFFC00  }
0x33: {  	_ =	swait.ge [sflag:s21], $0x400  }
0x34: {  	s23 =	sadd.s32 $0xFFFFFFFF, s23;
	[sflag:s21] =	ssyncset.done $0x0  }
.LBB2_1:
0x35: {  	p0 =	sne.s32 s23, $0x1;
	s23 =	sadd.s32 $0xFFFFFFFF, s23;
	[sflag:s21] =	ssyncadd.s32 $0xFFFFFC00  }
0x36: {  	[tilespmem:s2], [sflag:$0x2] =	stream.linear.gather [hbm4b:s3+s2], $0x400, $0x38;
	[tilespmem:$0x2400] =	vst v63  }
0x37: {  	_ =	swait.ge [sflag:s4], $0x400  }
0x38: {  	[sflag:s4] =	ssyncset.done $0x0  }
0x39: {  	[sflag:s4] =	ssyncadd.s32 $0xFFFFFC00  }
0x3a: {  	[tilespmem:s6], [sflag:$0x2] =	stream.linear.gather [hbm4b:s5+s2], $0x2000, $0x38;
	[tilespmem:$0x2400] =	vst v63  }
0x3b: {  	_ =	swait.ge [sflag:s4], $0x2000  }
0x3c: {  	[sflag:s4] =	ssyncset.done $0x0  }
0x3d: {  	[sflag:s4] =	ssyncadd.s32 $0xFFFFE000  }
0x3e: {  	[hbm4b:s7+s8] =	stream.indirect.scatter [tilespmem:s6], [sflag:$0x1], $0x8, s2, s8, $0xb8;
	[tilespmem:$0x2400] =	vst v63  }
0x3f: {  	_ = 	snop  }
0x40: {  	[hbm4b:s7+s8] =	stream.indirect.scatter [tilespmem:s9], [sflag:$0x1], $0x8, s8, s8, $0xb8;
	[tilespmem:$0x2400] =	vst v63  }
0x41: {  	_ = 	snop  }
0x42: {  	[hbm4b:s7+s8] =	stream.indirect.scatter [tilespmem:s11], [sflag:$0x1], $0x8, s10, s8, $0xb8;
	[tilespmem:$0x2400] =	vst v63  }
0x43: {  	_ = 	snop  }
0x44: {  	[hbm4b:s7+s8] =	stream.indirect.scatter [tilespmem:s13], [sflag:$0x1], $0x8, s12, s8, $0xb8;
	[tilespmem:$0x2400] =	vst v63  }
0x45: {  	_ = 	snop  }
0x46: {  	[hbm4b:s7+s8] =	stream.indirect.scatter [tilespmem:s15], [sflag:$0x1], $0x8, s14, s8, $0xb8;
	[tilespmem:$0x2400] =	vst v63  }
0x47: {  	_ = 	snop  }
0x48: {  	[hbm4b:s7+s8] =	stream.indirect.scatter [tilespmem:s17], [sflag:$0x1], $0x8, s16, s8, $0xb8;
	[tilespmem:$0x2400] =	vst v63  }
0x49: {  	_ = 	snop  }
0x4a: {  	[hbm4b:s7+s8] =	stream.indirect.scatter [tilespmem:s19], [sflag:$0x1], $0x8, s18, s8, $0xb8;
	[tilespmem:$0x2400] =	vst v63  }
0x4b: {  	_ = 	snop  }
0x4c: {  	[hbm4b:s7+s8] =	stream.indirect.scatter [tilespmem:s22], [sflag:$0x1], $0x8, s20, s8, $0xb8;
	[tilespmem:$0x2400] =	vst v63  }
0x4d: {  	_ =	swait.ge [sflag:s21], $0x400  }
0x4e: {  	[sflag:s21] =	ssyncset.done $0x0  }
0x4f: {  	[sflag:s21] =	ssyncadd.s32 $0xFFFFFC00  }
0x50: {  	_ =	swait.ge [sflag:s21], $0x400  }
0x51: {  	[sflag:s21] =	ssyncset.done $0x0  }
0x52: {  	[sflag:s21] =	ssyncadd.s32 $0xFFFFFC00  }
0x53: {  	_ =	swait.ge [sflag:s21], $0x400  }
0x54: {  	[sflag:s21] =	ssyncset.done $0x0  }
0x55: {  	[sflag:s21] =	ssyncadd.s32 $0xFFFFFC00  }
0x56: {  	_ =	swait.ge [sflag:s21], $0x400  }
0x57: {  	[sflag:s21] =	ssyncset.done $0x0  }
0x58: {  	[sflag:s21] =	ssyncadd.s32 $0xFFFFFC00  }
0x59: {  	_ =	swait.ge [sflag:s21], $0x400  }
0x5a: {  	[sflag:s21] =	ssyncset.done $0x0  }
0x5b: {  	[sflag:s21] =	ssyncadd.s32 $0xFFFFFC00  }
0x5c: {  	_ =	swait.ge [sflag:s21], $0x400  }
0x5d: {  	[sflag:s21] =	ssyncset.done $0x0  }
0x5e: {  	[sflag:s21] =	ssyncadd.s32 $0xFFFFFC00  }
.Ltmp1:
0x5f: {  	_ =	swait.ge [sflag:s21], $0x400;
	(pc) =	sbr.rel @p0 .LBB2_1-.Ltmp1, $4  }
0x60: {  	[sflag:s21] =	ssyncset.done $0x0  }
0x61: {  	[sflag:s21] =	ssyncadd.s32 $0xFFFFFC00  }
0x62: {  	_ =	swait.ge [sflag:s21], $0x400  }
0x63: {  	[sflag:s21] =	ssyncset.done $0x0  }
.LBB2_2:
0x64: {  	[sflag:s21] =	ssyncadd.s32 $0xFFFFFC00  }
0x65: {  	_ =	sfence.sel $0x180000  }
0x66: {  	[bflag:$0x0] =	sbarrier.arrive $0xFFFF  }
0x67: {  	p0 =	sne.s32 s0, $0x0;
	_ =	strace $0x9000004A  }
0x68: {  	s0 =	sadd.s32 @!p0 $0x100000, s1;
	[bflag:$0x2] =	sbarrier.arrive $0xFFFF  }
0x69: {  	[sflag:s0] =	ssyncadd.tile.s32 @!p0 $0x1;
	_ =	shalt  }
.Lfunc_end2:
_tile_overlayer_lowered:
.L_overlay_start_2:
0x6a: {  	(tag) =	ssettag $0x2  }
0x6b: {  	s0 =	rddreg [dreg:$0x0];
	s2 =	stileid.u32  }
0x6c: {  	s1 =	rddreg [dreg:$0x1];
	p0 =	sne.s32 s2, $0x0  }
0x6d: {  	s3 =	rddreg [dreg:$0x2];
	[bflag:$0x3] =	sbarrier.arrive $0xFFFF;
	s2 =	simm.s32 @!p0 $0x1C02  }
0x6e: {  	[timem:s3], [sflag:s2] =	dma.local @!p0 [hbm:s0], s1  }
0x6f: {  	s0 =	simm.s32 @!p0 $0x2  }
0x70: {  	_ =	swait.ge @!p0 [sflag:s0], s1  }
0x71: {  	s1 =	ssub.s32 @!p0 $0x0, s1;
	[sflag:s0] =	ssyncset.done @!p0 $0x0  }
0x72: {  	[sflag:s0] =	ssyncadd.s32 @!p0 s1  }
0x73: {  	[bflag:$0x3] =	sbarrier.arrive $0xFFFF  }
0x74: {  	_ =	shalt  }

</sc_bundles>
